<compile_context>
chip_gen: v7x
topology: tpu7x:2x2x1
jax: 0.10.2.dev20260603
libtpu: 0.0.44.dev20260713+nightly
codegen_flags: <defaults>
</compile_context>

<pallas_src>
import functools

import jax
import jax.numpy as jnp
from jax import lax
from jax.experimental import pallas as pl
from jax.experimental.pallas import tpu as pltpu
from jax.experimental.pallas import tpu_sc as plsc

NC = 2
NS = 16
CHUNK = 125

_SELU_ALPHA = 1.6732632423543772
_SELU_SCALE = 1.0507009873554805


def _selu(v):
    return _SELU_SCALE * jnp.where(v > 0, v, _SELU_ALPHA * (jnp.exp(v) - 1.0))


def _matmul_tc(x, w, n_out):
    n = x.shape[0]
    h = w.shape[1]

    def body(x_ref, w_ref, o_ref):
        o_ref[pl.ds(0, n), :] = jnp.dot(x_ref[...], w_ref[...],
                                        preferred_element_type=jnp.float32)

    return pl.pallas_call(
        body,
        out_shape=jax.ShapeDtypeStruct((n_out, h), jnp.float32),
    )(x, w)


def _message_passing_sc(rows, src_r, dst_r, b1rows, zeros):
    n, h = rows.shape
    hh = h // NC
    nchunk = src_r.shape[1]
    rps = n // NS
    mesh = plsc.VectorSubcoreMesh(core_axis_name="c", subcore_axis_name="s")

    @functools.partial(
        pl.kernel,
        out_type=jax.ShapeDtypeStruct((n, h), jnp.float32),
        mesh=mesh,
        scratch_types=[
            pltpu.VMEM((nchunk, CHUNK), jnp.int32),
            pltpu.VMEM((nchunk, CHUNK), jnp.int32),
            pltpu.VMEM((CHUNK, hh), jnp.float32),
            pltpu.VMEM((CHUNK, hh), jnp.float32),
            pltpu.VMEM_SHARED((n, hh), jnp.float32),
            pltpu.VMEM_SHARED((n, hh), jnp.float32),
            pltpu.VMEM_SHARED((n, hh), jnp.float32),
            pltpu.SemaphoreType.DMA,
            pltpu.SemaphoreType.DMA,
            pltpu.SemaphoreType.DMA,
            pltpu.SemaphoreType.DMA,
            pltpu.SemaphoreType.DMA,
        ],
        compiler_params=pltpu.CompilerParams(use_tc_tiling_on_sc=False),
    )
    def k(rows_hbm, src_hbm, dst_hbm, b1_hbm, zeros_hbm, out_hbm,
          src_v, dst_v, g0, g1, table, acc1, acc2,
          sg0, sg1, sg2, sg3, szero):
        g = (g0, g1)
        sg = (sg0, sg1)
        c = lax.axis_index("c")
        s = lax.axis_index("s")
        row0 = s * rps
        col0 = c * hh
        rows_sl = pl.ds(row0, rps)
        cols_sl = pl.ds(col0, hh)
        pltpu.async_copy(rows_hbm.at[rows_sl, cols_sl], table.at[rows_sl], sg0)
        pltpu.async_copy(b1_hbm.at[rows_sl, cols_sl], acc1.at[rows_sl], sg1)
        pltpu.async_copy(zeros_hbm.at[rows_sl, cols_sl], acc2.at[rows_sl],
                         szero)
        pltpu.async_copy(src_hbm.at[s], src_v, sg2)
        pltpu.async_copy(dst_hbm.at[s], dst_v, sg3)
        pltpu.make_async_copy(rows_hbm.at[rows_sl, cols_sl],
                              table.at[rows_sl], sg0).wait()
        pltpu.make_async_copy(b1_hbm.at[rows_sl, cols_sl],
                              acc1.at[rows_sl], sg1).wait()
        pltpu.make_async_copy(src_hbm.at[s], src_v, sg2).wait()
        pltpu.make_async_copy(dst_hbm.at[s], dst_v, sg3).wait()
        plsc.subcore_barrier()

        def round_(tab, acc):
            pltpu.make_async_copy(tab.at[src_v.at[0]], g[0], sg[0]).start()

            @pl.loop(0, nchunk // 2 - 1)
            def _(i):
                j = 2 * i
                cp1 = pltpu.make_async_copy(tab.at[src_v.at[j + 1]],
                                            g[1], sg[1])
                cp1.start()
                pltpu.make_async_copy(tab.at[src_v.at[j]], g[0], sg[0]).wait()
                pltpu.sync_copy(g[0], acc.at[dst_v.at[j]], add=True)
                cp0 = pltpu.make_async_copy(tab.at[src_v.at[j + 2]],
                                            g[0], sg[0])
                cp0.start()
                cp1.wait()
                pltpu.sync_copy(g[1], acc.at[dst_v.at[j + 1]], add=True)

            j = nchunk - 2
            cp1 = pltpu.make_async_copy(tab.at[src_v.at[j + 1]], g[1], sg[1])
            cp1.start()
            pltpu.make_async_copy(tab.at[src_v.at[j]], g[0], sg[0]).wait()
            pltpu.sync_copy(g[0], acc.at[dst_v.at[j]], add=True)
            cp1.wait()
            pltpu.sync_copy(g[1], acc.at[dst_v.at[j + 1]], add=True)

        round_(table, acc1)
        pltpu.make_async_copy(zeros_hbm.at[rows_sl, cols_sl],
                              acc2.at[rows_sl], szero).wait()
        plsc.subcore_barrier()
        round_(acc1, acc2)
        plsc.subcore_barrier()
        pltpu.sync_copy(acc2.at[rows_sl], out_hbm.at[rows_sl, cols_sl])

    return k(rows, src_r, dst_r, b1rows, zeros)


def _head_tc(agg2, n_real, W2, b2r, wg_row, bgr, Wf1, bf1r, Wf2, bf2r):
    np_ = agg2.shape[0]

    def body(a_ref, w2_ref, b2_ref, wg_ref, bg_ref,
             wf1_ref, bf1_ref, wf2_ref, bf2_ref, o_ref):
        h2 = jnp.dot(a_ref[...], w2_ref[...],
                     preferred_element_type=jnp.float32) + b2_ref[...]
        h2 = _selu(h2)
        gate = jnp.sum(h2 * wg_ref[...], axis=1, keepdims=True) + bg_ref[0, 0]
        row_ids = lax.broadcasted_iota(jnp.int32, (np_, 1), 0)
        gate = jnp.where(row_ids < n_real, gate, -jnp.inf)
        m = jnp.max(gate)
        e = jnp.exp(gate - m)
        denom = jnp.sum(e)
        readout = jnp.sum(e * h2, axis=0, keepdims=True) / denom
        z = _selu(jnp.dot(readout, wf1_ref[...],
                          preferred_element_type=jnp.float32) + bf1_ref[...])
        logit = jnp.dot(z, wf2_ref[...],
                        preferred_element_type=jnp.float32) + bf2_ref[...]
        o_ref[...] = jax.nn.sigmoid(logit)

    return pl.pallas_call(
        body,
        out_shape=jax.ShapeDtypeStruct((1, 1), jnp.float32),
    )(agg2, W2, b2r, wg_row, bgr, Wf1, bf1r, Wf2, bf2r)


def kernel(x, edge_index, W1, b1, W2, b2, Wg, bg, Wf1, bf1, Wf2, bf2):
    n = x.shape[0]
    e = edge_index.shape[1]
    h = W1.shape[1]
    eps = e // NS
    nchunk = eps // CHUNK
    np_ = ((n + NS * 8 - 1) // (NS * 8)) * (NS * 8)

    src_r = edge_index[0].reshape(NS, nchunk, CHUNK)
    dst_r = edge_index[1].reshape(NS, nchunk, CHUNK)
    b1rows = jnp.broadcast_to(b1.reshape(1, h), (np_, h))
    zeros = jnp.zeros((np_, h), jnp.float32)

    h_pre = _matmul_tc(x, W1, np_)
    agg2 = _message_passing_sc(h_pre, src_r, dst_r, b1rows, zeros)
    out = _head_tc(agg2, n, W2, b2.reshape(1, h), Wg.reshape(1, h),
                   bg.reshape(1, 1), Wf1, bf1.reshape(1, Wf1.shape[1]),
                   Wf2, bf2.reshape(1, 1))
    return out

# --- scband reference (transcript-rebuilt; emitter-appended) ---
"""Pipeline reference for scband-no-attention-net-9990093930998 (READ-ONLY COPY).

The authoritative reference and input builder live on the scoring server;
editing this copy changes nothing except your own understanding.
"""

import jax, jax.numpy as jnp
import numpy as np

N = 10000
E = 320000
D_IN = 128
H = 64


def setup_inputs(seed: int = 0) -> dict:
    key = jax.random.key(seed)
    ks = jax.random.split(key, 12)
    x = jax.random.normal(ks[0], (N, D_IN), dtype=jnp.float32)
    edge_index = jax.random.randint(ks[1], (2, E), 0, N, dtype=jnp.int32)
    s1 = 1.0 / np.sqrt(D_IN)
    s2 = 1.0 / np.sqrt(H)
    sf1 = 1.0 / np.sqrt(H)
    sf2 = 1.0 / np.sqrt(H // 2)
    W1 = jax.random.uniform(ks[2], (D_IN, H), jnp.float32, -s1, s1)
    b1 = jnp.zeros((H,), jnp.float32)
    W2 = jax.random.uniform(ks[3], (H, H), jnp.float32, -s2, s2)
    b2 = jnp.zeros((H,), jnp.float32)
    Wg = jax.random.uniform(ks[4], (H, 1), jnp.float32, -s2, s2)
    bg = jax.random.uniform(ks[5], (1,), jnp.float32, -s2, s2)
    Wf1 = jax.random.uniform(ks[6], (H, H // 2), jnp.float32, -sf1, sf1)
    bf1 = jax.random.uniform(ks[7], (H // 2,), jnp.float32, -sf1, sf1)
    Wf2 = jax.random.uniform(ks[8], (H // 2, 1), jnp.float32, -sf2, sf2)
    bf2 = jax.random.uniform(ks[9], (1,), jnp.float32, -sf2, sf2)
    return {"x": x, "edge_index": edge_index, "W1": W1, "b1": b1, "W2": W2,
            "b2": b2, "Wg": Wg, "bg": bg, "Wf1": Wf1, "bf1": bf1,
            "Wf2": Wf2, "bf2": bf2}


def reference(x, edge_index, W1, b1, W2, b2, Wg, bg, Wf1, bf1, Wf2, bf2):
    src = edge_index[0]
    dst = edge_index[1]
    # GraphConv(norm='none') #1: in(128) > out(64) -> multiply by W first, then sum-aggregate
    h = x.astype(jnp.float32) @ W1
    h = jax.ops.segment_sum(jnp.take(h, src, axis=0), dst, num_segments=N) + b1
    # GraphConv(norm='none') #2: aggregate then weight
    h2 = jax.ops.segment_sum(jnp.take(h, src, axis=0), dst, num_segments=N)
    h2 = h2 @ W2 + b2
    h2 = jax.nn.selu(h2)
    # GlobalAttentionPooling over the single graph (softmax over all nodes)
    gate = h2 @ Wg + bg                      # [N, 1]
    alpha = jax.nn.softmax(gate, axis=0)     # [N, 1]
    readout = jnp.sum(alpha * h2, axis=0, keepdims=True)  # [1, H]
    z = jax.nn.selu(readout @ Wf1 + bf1)
    out = jax.nn.sigmoid(z @ Wf2 + bf2)      # [1, 1]
    return out

if __name__ == "__main__":
    import jax
    _d = setup_inputs()
    print(jax.jit(kernel)(*tuple(_d.values())))

</pallas_src>

<mosaic_0001>
#map = affine_map<(d0, d1) -> (0, 0)>
#map1 = affine_map<(d0, d1) -> (0, 0, 0)>
module attributes {stable_mosaic.version = 14 : i64} {
  func.func @k(%arg0: i32, %arg1: i32, %arg2: memref<10112x64xf32, #tpu.memory_space<hbm>>, %arg3: memref<16x160x125xi32, #tpu.memory_space<hbm>>, %arg4: memref<16x160x125xi32, #tpu.memory_space<hbm>>, %arg5: memref<10112x64xf32, #tpu.memory_space<hbm>>, %arg6: memref<10112x64xf32, #tpu.memory_space<hbm>>, %arg7: memref<10112x64xf32, #tpu.memory_space<hbm>>, %arg8: memref<160x125xi32, #tpu.memory_space<vmem>>, %arg9: memref<160x125xi32, #tpu.memory_space<vmem>>, %arg10: memref<125x32xf32, #tpu.memory_space<vmem>>, %arg11: memref<125x32xf32, #tpu.memory_space<vmem>>, %arg12: memref<10112x32xf32, #tpu.memory_space<vmem_shared>>, %arg13: memref<10112x32xf32, #tpu.memory_space<vmem_shared>>, %arg14: memref<10112x32xf32, #tpu.memory_space<vmem_shared>>, %arg15: memref<!tpu.dma_semaphore, #tpu.memory_space<semaphore_mem>>, %arg16: memref<!tpu.dma_semaphore, #tpu.memory_space<semaphore_mem>>, %arg17: memref<!tpu.dma_semaphore, #tpu.memory_space<semaphore_mem>>, %arg18: memref<!tpu.dma_semaphore, #tpu.memory_space<semaphore_mem>>, %arg19: memref<!tpu.dma_semaphore, #tpu.memory_space<semaphore_mem>>) attributes {dimension_semantics = [#tpu.dimension_semantics<core_parallel>, #tpu.dimension_semantics<subcore_parallel>], iteration_bounds = array<i64: 2, 16>, scalar_prefetch = 0 : i64, scratch_operands = 12 : i64, tpu.core_type = #tpu.core_type<sc_vector_subcore>, window_params = [{transform_indices = #map}, {transform_indices = #map1}, {transform_indices = #map1}, {transform_indices = #map}, {transform_indices = #map}, {transform_indices = #map}]} {
    %mul3A = arith.constant 632 : i32
    %mul3A_0 = arith.muli %arg1, %mul3A : i32
    %mul3A_1 = arith.constant 32 : i32
    %mul3A_2 = arith.muli %arg0, %mul3A_1 : i32
    %dma_start3A = arith.constant 0 : i32
    %dma_start3A_3 = tpu.memref_slice %arg12[%mul3A_0, %dma_start3A] : memref<10112x32xf32, #tpu.memory_space<vmem_shared>> -> memref<632x32xf32, #tpu.memory_space<vmem_shared>>
    %dma_start3A_4 = tpu.memref_slice %arg2[%mul3A_0, %mul3A_2] : memref<10112x64xf32, #tpu.memory_space<hbm>> -> memref<632x32xf32, #tpu.memory_space<hbm>>
    tpu.enqueue_dma source(%dma_start3A_4 : memref<632x32xf32, #tpu.memory_space<hbm>>) target(%dma_start3A_3 : memref<632x32xf32, #tpu.memory_space<vmem_shared>>) target_semaphore(%arg15 : memref<!tpu.dma_semaphore, #tpu.memory_space<semaphore_mem>>)
    %dma_start3A_5 = arith.constant 0 : i32
    %dma_start3A_6 = tpu.memref_slice %arg13[%mul3A_0, %dma_start3A_5] : memref<10112x32xf32, #tpu.memory_space<vmem_shared>> -> memref<632x32xf32, #tpu.memory_space<vmem_shared>>
    %dma_start3A_7 = tpu.memref_slice %arg5[%mul3A_0, %mul3A_2] : memref<10112x64xf32, #tpu.memory_space<hbm>> -> memref<632x32xf32, #tpu.memory_space<hbm>>
    tpu.enqueue_dma source(%dma_start3A_7 : memref<632x32xf32, #tpu.memory_space<hbm>>) target(%dma_start3A_6 : memref<632x32xf32, #tpu.memory_space<vmem_shared>>) target_semaphore(%arg16 : memref<!tpu.dma_semaphore, #tpu.memory_space<semaphore_mem>>)
    %dma_start3A_8 = arith.constant 0 : i32
    %dma_start3A_9 = tpu.memref_slice %arg14[%mul3A_0, %dma_start3A_8] : memref<10112x32xf32, #tpu.memory_space<vmem_shared>> -> memref<632x32xf32, #tpu.memory_space<vmem_shared>>
    %dma_start3A_10 = tpu.memref_slice %arg6[%mul3A_0, %mul3A_2] : memref<10112x64xf32, #tpu.memory_space<hbm>> -> memref<632x32xf32, #tpu.memory_space<hbm>>
    tpu.enqueue_dma source(%dma_start3A_10 : memref<632x32xf32, #tpu.memory_space<hbm>>) target(%dma_start3A_9 : memref<632x32xf32, #tpu.memory_space<vmem_shared>>) target_semaphore(%arg19 : memref<!tpu.dma_semaphore, #tpu.memory_space<semaphore_mem>>)
    %dma_start3A_11 = arith.constant 0 : i32
    %dma_start3A_12 = arith.constant 0 : i32
    %dma_start3A_13 = tpu.memref_slice %arg3[%arg1, %dma_start3A_11, %dma_start3A_12] : memref<16x160x125xi32, #tpu.memory_space<hbm>> -> memref<1x160x125xi32, #tpu.memory_space<hbm>>
    %dma_start3A_14 = tpu.memref_squeeze %dma_start3A_13 : memref<1x160x125xi32, #tpu.memory_space<hbm>> -> memref<160x125xi32, #tpu.memory_space<hbm>>
    %dma_start3A_15 = arith.constant 0 : i32
    %dma_start3A_16 = arith.constant 0 : i32
    %dma_start3A_17 = tpu.memref_slice %arg3[%arg1, %dma_start3A_15, %dma_start3A_16] : memref<16x160x125xi32, #tpu.memory_space<hbm>> -> memref<1x160x125xi32, #tpu.memory_space<hbm>>
    %dma_start3A_18 = tpu.memref_squeeze %dma_start3A_17 : memref<1x160x125xi32, #tpu.memory_space<hbm>> -> memref<160x125xi32, #tpu.memory_space<hbm>>
    tpu.enqueue_dma source(%dma_start3A_18 : memref<160x125xi32, #tpu.memory_space<hbm>>) target(%arg8 : memref<160x125xi32, #tpu.memory_space<vmem>>) target_semaphore(%arg17 : memref<!tpu.dma_semaphore, #tpu.memory_space<semaphore_mem>>)
    %dma_start3A_19 = arith.constant 0 : i32
    %dma_start3A_20 = arith.constant 0 : i32
    %dma_start3A_21 = tpu.memref_slice %arg4[%arg1, %dma_start3A_19, %dma_start3A_20] : memref<16x160x125xi32, #tpu.memory_space<hbm>> -> memref<1x160x125xi32, #tpu.memory_space<hbm>>
    %dma_start3A_22 = tpu.memref_squeeze %dma_start3A_21 : memref<1x160x125xi32, #tpu.memory_space<hbm>> -> memref<160x125xi32, #tpu.memory_space<hbm>>
    %dma_start3A_23 = arith.constant 0 : i32
    %dma_start3A_24 = arith.constant 0 : i32
    %dma_start3A_25 = tpu.memref_slice %arg4[%arg1, %dma_start3A_23, %dma_start3A_24] : memref<16x160x125xi32, #tpu.memory_space<hbm>> -> memref<1x160x125xi32, #tpu.memory_space<hbm>>
    %dma_start3A_26 = tpu.memref_squeeze %dma_start3A_25 : memref<1x160x125xi32, #tpu.memory_space<hbm>> -> memref<160x125xi32, #tpu.memory_space<hbm>>
    tpu.enqueue_dma source(%dma_start3A_26 : memref<160x125xi32, #tpu.memory_space<hbm>>) target(%arg9 : memref<160x125xi32, #tpu.memory_space<vmem>>) target_semaphore(%arg18 : memref<!tpu.dma_semaphore, #tpu.memory_space<semaphore_mem>>)
    %dma_wait3A = arith.constant 0 : i32
    %dma_wait3A_27 = tpu.memref_slice %arg12[%mul3A_0, %dma_wait3A] : memref<10112x32xf32, #tpu.memory_space<vmem_shared>> -> memref<632x32xf32, #tpu.memory_space<vmem_shared>>
    %dma_wait3A_28 = tpu.memref_slice %arg2[%mul3A_0, %mul3A_2] : memref<10112x64xf32, #tpu.memory_space<hbm>> -> memref<632x32xf32, #tpu.memory_space<hbm>>
    tpu.wait_dma2 semaphore(%arg15 : memref<!tpu.dma_semaphore, #tpu.memory_space<semaphore_mem>>) src(%dma_wait3A_28 : memref<632x32xf32, #tpu.memory_space<hbm>>) dst(%dma_wait3A_27 : memref<632x32xf32, #tpu.memory_space<vmem_shared>>)
    %dma_wait3A_29 = arith.constant 0 : i32
    %dma_wait3A_30 = tpu.memref_slice %arg13[%mul3A_0, %dma_wait3A_29] : memref<10112x32xf32, #tpu.memory_space<vmem_shared>> -> memref<632x32xf32, #tpu.memory_space<vmem_shared>>
    %dma_wait3A_31 = tpu.memref_slice %arg5[%mul3A_0, %mul3A_2] : memref<10112x64xf32, #tpu.memory_space<hbm>> -> memref<632x32xf32, #tpu.memory_space<hbm>>
    tpu.wait_dma2 semaphore(%arg16 : memref<!tpu.dma_semaphore, #tpu.memory_space<semaphore_mem>>) src(%dma_wait3A_31 : memref<632x32xf32, #tpu.memory_space<hbm>>) dst(%dma_wait3A_30 : memref<632x32xf32, #tpu.memory_space<vmem_shared>>)
    %dma_wait3A_32 = arith.constant 0 : i32
    %dma_wait3A_33 = arith.constant 0 : i32
    %dma_wait3A_34 = tpu.memref_slice %arg3[%arg1, %dma_wait3A_32, %dma_wait3A_33] : memref<16x160x125xi32, #tpu.memory_space<hbm>> -> memref<1x160x125xi32, #tpu.memory_space<hbm>>
    %dma_wait3A_35 = tpu.memref_squeeze %dma_wait3A_34 : memref<1x160x125xi32, #tpu.memory_space<hbm>> -> memref<160x125xi32, #tpu.memory_space<hbm>>
    %dma_wait3A_36 = arith.constant 0 : i32
    %dma_wait3A_37 = arith.constant 0 : i32
    %dma_wait3A_38 = tpu.memref_slice %arg3[%arg1, %dma_wait3A_36, %dma_wait3A_37] : memref<16x160x125xi32, #tpu.memory_space<hbm>> -> memref<1x160x125xi32, #tpu.memory_space<hbm>>
    %dma_wait3A_39 = tpu.memref_squeeze %dma_wait3A_38 : memref<1x160x125xi32, #tpu.memory_space<hbm>> -> memref<160x125xi32, #tpu.memory_space<hbm>>
    tpu.wait_dma2 semaphore(%arg17 : memref<!tpu.dma_semaphore, #tpu.memory_space<semaphore_mem>>) src(%dma_wait3A_39 : memref<160x125xi32, #tpu.memory_space<hbm>>) dst(%arg8 : memref<160x125xi32, #tpu.memory_space<vmem>>)
    %dma_wait3A_40 = arith.constant 0 : i32
    %dma_wait3A_41 = arith.constant 0 : i32
    %dma_wait3A_42 = tpu.memref_slice %arg4[%arg1, %dma_wait3A_40, %dma_wait3A_41] : memref<16x160x125xi32, #tpu.memory_space<hbm>> -> memref<1x160x125xi32, #tpu.memory_space<hbm>>
    %dma_wait3A_43 = tpu.memref_squeeze %dma_wait3A_42 : memref<1x160x125xi32, #tpu.memory_space<hbm>> -> memref<160x125xi32, #tpu.memory_space<hbm>>
    %dma_wait3A_44 = arith.constant 0 : i32
    %dma_wait3A_45 = arith.constant 0 : i32
    %dma_wait3A_46 = tpu.memref_slice %arg4[%arg1, %dma_wait3A_44, %dma_wait3A_45] : memref<16x160x125xi32, #tpu.memory_space<hbm>> -> memref<1x160x125xi32, #tpu.memory_space<hbm>>
    %dma_wait3A_47 = tpu.memref_squeeze %dma_wait3A_46 : memref<1x160x125xi32, #tpu.memory_space<hbm>> -> memref<160x125xi32, #tpu.memory_space<hbm>>
    tpu.wait_dma2 semaphore(%arg18 : memref<!tpu.dma_semaphore, #tpu.memory_space<semaphore_mem>>) src(%dma_wait3A_47 : memref<160x125xi32, #tpu.memory_space<hbm>>) dst(%arg9 : memref<160x125xi32, #tpu.memory_space<vmem>>)
    %barrier3A = arith.constant 0 : index
    tpu.barrier barrier_id(%barrier3A)
    %dma_start3A_48 = arith.constant 0 : i32
    %dma_start3A_49 = arith.constant 0 : i32
    %dma_start3A_50 = tpu.memref_slice %arg8[%dma_start3A_48, %dma_start3A_49] : memref<160x125xi32, #tpu.memory_space<vmem>> -> memref<1x125xi32, #tpu.memory_space<vmem>>
    %dma_start3A_51 = tpu.memref_squeeze %dma_start3A_50 : memref<1x125xi32, #tpu.memory_space<vmem>> -> memref<125xi32, #tpu.memory_space<vmem>>
    %dma_start3A_52 = arith.constant 0 : i32
    %dma_start3A_53 = arith.constant 0 : i32
    %dma_start3A_54 = tpu.memref_slice %arg12[%dma_start3A_52, %dma_start3A_53] : memref<10112x32xf32, #tpu.memory_space<vmem_shared>> -> memref<10112x32xf32, #tpu.memory_space<vmem_shared>>
    tpu.enqueue_indirect_dma source(%dma_start3A_54 : memref<10112x32xf32, #tpu.memory_space<vmem_shared>>) target(%arg10 : memref<125x32xf32, #tpu.memory_space<vmem>>) offsets(%dma_start3A_51 : memref<125xi32, #tpu.memory_space<vmem>>) semaphore(%arg15 : memref<!tpu.dma_semaphore, #tpu.memory_space<semaphore_mem>>)
    %scan3A = arith.constant 0 : i32
    %scan3A_55 = arith.constant 79 : i32
    %scan3A_56 = arith.addi %scan3A, %scan3A_55 : i32
    %scan3A_57 = arith.constant 1 : i32
    scf.for %scan3A_121 = %scan3A to %scan3A_56 step %scan3A_57  : i32 {
      %mul3A_122 = arith.constant 1 : i32
      %mul3A_123 = arith.muli %scan3A_121, %mul3A_122 : i32
      %add3A = arith.constant 0 : i32
      %add3A_124 = arith.addi %add3A, %mul3A_123 : i32
      %mul3A_125 = arith.constant 2 : i32
      %mul3A_126 = arith.muli %mul3A_125, %add3A_124 : i32
      %add3A_127 = arith.constant 1 : i32
      %add3A_128 = arith.addi %mul3A_126, %add3A_127 : i32
      %dma_start3A_129 = arith.constant 0 : i32
      %dma_start3A_130 = tpu.memref_slice %arg8[%add3A_128, %dma_start3A_129] : memref<160x125xi32, #tpu.memory_space<vmem>> -> memref<1x125xi32, #tpu.memory_space<vmem>>
      %dma_start3A_131 = tpu.memref_squeeze %dma_start3A_130 : memref<1x125xi32, #tpu.memory_space<vmem>> -> memref<125xi32, #tpu.memory_space<vmem>>
      %dma_start3A_132 = arith.constant 0 : i32
      %dma_start3A_133 = arith.constant 0 : i32
      %dma_start3A_134 = tpu.memref_slice %arg12[%dma_start3A_132, %dma_start3A_133] : memref<10112x32xf32, #tpu.memory_space<vmem_shared>> -> memref<10112x32xf32, #tpu.memory_space<vmem_shared>>
      tpu.enqueue_indirect_dma source(%dma_start3A_134 : memref<10112x32xf32, #tpu.memory_space<vmem_shared>>) target(%arg11 : memref<125x32xf32, #tpu.memory_space<vmem>>) offsets(%dma_start3A_131 : memref<125xi32, #tpu.memory_space<vmem>>) semaphore(%arg16 : memref<!tpu.dma_semaphore, #tpu.memory_space<semaphore_mem>>)
      %dma_wait3A_135 = arith.constant 0 : i32
      %dma_wait3A_136 = tpu.memref_slice %arg8[%mul3A_126, %dma_wait3A_135] : memref<160x125xi32, #tpu.memory_space<vmem>> -> memref<1x125xi32, #tpu.memory_space<vmem>>
      %dma_wait3A_137 = tpu.memref_squeeze %dma_wait3A_136 : memref<1x125xi32, #tpu.memory_space<vmem>> -> memref<125xi32, #tpu.memory_space<vmem>>
      %dma_wait3A_138 = arith.constant 0 : i32
      %dma_wait3A_139 = arith.constant 0 : i32
      %dma_wait3A_140 = tpu.memref_slice %arg12[%dma_wait3A_138, %dma_wait3A_139] : memref<10112x32xf32, #tpu.memory_space<vmem_shared>> -> memref<10112x32xf32, #tpu.memory_space<vmem_shared>>
      tpu.wait_indirect_dma semaphore(%arg15 : memref<!tpu.dma_semaphore, #tpu.memory_space<semaphore_mem>>) src(%dma_wait3A_140 : memref<10112x32xf32, #tpu.memory_space<vmem_shared>>) dst(%arg10 : memref<125x32xf32, #tpu.memory_space<vmem>>)
      "tpu.region"() ({
        %run_scoped3A_157 = tpu.sem_alloc : memref<!tpu.dma_semaphore, #tpu.memory_space<semaphore_mem>>
        %dma_start3A_158 = arith.constant 0 : i32
        %dma_start3A_159 = tpu.memref_slice %arg9[%mul3A_126, %dma_start3A_158] : memref<160x125xi32, #tpu.memory_space<vmem>> -> memref<1x125xi32, #tpu.memory_space<vmem>>
        %dma_start3A_160 = tpu.memref_squeeze %dma_start3A_159 : memref<1x125xi32, #tpu.memory_space<vmem>> -> memref<125xi32, #tpu.memory_space<vmem>>
        %dma_start3A_161 = arith.constant 0 : i32
        %dma_start3A_162 = arith.constant 0 : i32
        %dma_start3A_163 = tpu.memref_slice %arg13[%dma_start3A_161, %dma_start3A_162] : memref<10112x32xf32, #tpu.memory_space<vmem_shared>> -> memref<10112x32xf32, #tpu.memory_space<vmem_shared>>
        tpu.enqueue_indirect_dma source(%arg10 : memref<125x32xf32, #tpu.memory_space<vmem>>) target(%dma_start3A_163 : memref<10112x32xf32, #tpu.memory_space<vmem_shared>>) offsets(%dma_start3A_160 : memref<125xi32, #tpu.memory_space<vmem>>) semaphore(%run_scoped3A_157 : memref<!tpu.dma_semaphore, #tpu.memory_space<semaphore_mem>>) {add = true}
        %dma_wait3A_164 = arith.constant 0 : i32
        %dma_wait3A_165 = tpu.memref_slice %arg9[%mul3A_126, %dma_wait3A_164] : memref<160x125xi32, #tpu.memory_space<vmem>> -> memref<1x125xi32, #tpu.memory_space<vmem>>
        %dma_wait3A_166 = tpu.memref_squeeze %dma_wait3A_165 : memref<1x125xi32, #tpu.memory_space<vmem>> -> memref<125xi32, #tpu.memory_space<vmem>>
        %dma_wait3A_167 = arith.constant 0 : i32
        %dma_wait3A_168 = arith.constant 0 : i32
        %dma_wait3A_169 = tpu.memref_slice %arg13[%dma_wait3A_167, %dma_wait3A_168] : memref<10112x32xf32, #tpu.memory_space<vmem_shared>> -> memref<10112x32xf32, #tpu.memory_space<vmem_shared>>
        tpu.wait_indirect_dma semaphore(%run_scoped3A_157 : memref<!tpu.dma_semaphore, #tpu.memory_space<semaphore_mem>>) src(%arg10 : memref<125x32xf32, #tpu.memory_space<vmem>>) dst(%dma_wait3A_169 : memref<10112x32xf32, #tpu.memory_space<vmem_shared>>)
        tpu.yield
      }) : () -> ()
      %add3A_141 = arith.constant 2 : i32
      %add3A_142 = arith.addi %mul3A_126, %add3A_141 : i32
      %dma_start3A_143 = arith.constant 0 : i32
      %dma_start3A_144 = tpu.memref_slice %arg8[%add3A_142, %dma_start3A_143] : memref<160x125xi32, #tpu.memory_space<vmem>> -> memref<1x125xi32, #tpu.memory_space<vmem>>
      %dma_start3A_145 = tpu.memref_squeeze %dma_start3A_144 : memref<1x125xi32, #tpu.memory_space<vmem>> -> memref<125xi32, #tpu.memory_space<vmem>>
      %dma_start3A_146 = arith.constant 0 : i32
      %dma_start3A_147 = arith.constant 0 : i32
      %dma_start3A_148 = tpu.memref_slice %arg12[%dma_start3A_146, %dma_start3A_147] : memref<10112x32xf32, #tpu.memory_space<vmem_shared>> -> memref<10112x32xf32, #tpu.memory_space<vmem_shared>>
      tpu.enqueue_indirect_dma source(%dma_start3A_148 : memref<10112x32xf32, #tpu.memory_space<vmem_shared>>) target(%arg10 : memref<125x32xf32, #tpu.memory_space<vmem>>) offsets(%dma_start3A_145 : memref<125xi32, #tpu.memory_space<vmem>>) semaphore(%arg15 : memref<!tpu.dma_semaphore, #tpu.memory_space<semaphore_mem>>)
      %dma_wait3A_149 = arith.constant 0 : i32
      %dma_wait3A_150 = tpu.memref_slice %arg8[%add3A_128, %dma_wait3A_149] : memref<160x125xi32, #tpu.memory_space<vmem>> -> memref<1x125xi32, #tpu.memory_space<vmem>>
      %dma_wait3A_151 = tpu.memref_squeeze %dma_wait3A_150 : memref<1x125xi32, #tpu.memory_space<vmem>> -> memref<125xi32, #tpu.memory_space<vmem>>
      %dma_wait3A_152 = arith.constant 0 : i32
      %dma_wait3A_153 = arith.constant 0 : i32
      %dma_wait3A_154 = tpu.memref_slice %arg12[%dma_wait3A_152, %dma_wait3A_153] : memref<10112x32xf32, #tpu.memory_space<vmem_shared>> -> memref<10112x32xf32, #tpu.memory_space<vmem_shared>>
      tpu.wait_indirect_dma semaphore(%arg16 : memref<!tpu.dma_semaphore, #tpu.memory_space<semaphore_mem>>) src(%dma_wait3A_154 : memref<10112x32xf32, #tpu.memory_space<vmem_shared>>) dst(%arg11 : memref<125x32xf32, #tpu.memory_space<vmem>>)
      %add3A_155 = arith.constant 1 : i32
      %add3A_156 = arith.addi %mul3A_126, %add3A_155 : i32
      "tpu.region"() ({
        %run_scoped3A_157 = tpu.sem_alloc : memref<!tpu.dma_semaphore, #tpu.memory_space<semaphore_mem>>
        %dma_start3A_158 = arith.constant 0 : i32
        %dma_start3A_159 = tpu.memref_slice %arg9[%add3A_156, %dma_start3A_158] : memref<160x125xi32, #tpu.memory_space<vmem>> -> memref<1x125xi32, #tpu.memory_space<vmem>>
        %dma_start3A_160 = tpu.memref_squeeze %dma_start3A_159 : memref<1x125xi32, #tpu.memory_space<vmem>> -> memref<125xi32, #tpu.memory_space<vmem>>
        %dma_start3A_161 = arith.constant 0 : i32
        %dma_start3A_162 = arith.constant 0 : i32
        %dma_start3A_163 = tpu.memref_slice %arg13[%dma_start3A_161, %dma_start3A_162] : memref<10112x32xf32, #tpu.memory_space<vmem_shared>> -> memref<10112x32xf32, #tpu.memory_space<vmem_shared>>
        tpu.enqueue_indirect_dma source(%arg11 : memref<125x32xf32, #tpu.memory_space<vmem>>) target(%dma_start3A_163 : memref<10112x32xf32, #tpu.memory_space<vmem_shared>>) offsets(%dma_start3A_160 : memref<125xi32, #tpu.memory_space<vmem>>) semaphore(%run_scoped3A_157 : memref<!tpu.dma_semaphore, #tpu.memory_space<semaphore_mem>>) {add = true}
        %dma_wait3A_164 = arith.constant 0 : i32
        %dma_wait3A_165 = tpu.memref_slice %arg9[%add3A_156, %dma_wait3A_164] : memref<160x125xi32, #tpu.memory_space<vmem>> -> memref<1x125xi32, #tpu.memory_space<vmem>>
        %dma_wait3A_166 = tpu.memref_squeeze %dma_wait3A_165 : memref<1x125xi32, #tpu.memory_space<vmem>> -> memref<125xi32, #tpu.memory_space<vmem>>
        %dma_wait3A_167 = arith.constant 0 : i32
        %dma_wait3A_168 = arith.constant 0 : i32
        %dma_wait3A_169 = tpu.memref_slice %arg13[%dma_wait3A_167, %dma_wait3A_168] : memref<10112x32xf32, #tpu.memory_space<vmem_shared>> -> memref<10112x32xf32, #tpu.memory_space<vmem_shared>>
        tpu.wait_indirect_dma semaphore(%run_scoped3A_157 : memref<!tpu.dma_semaphore, #tpu.memory_space<semaphore_mem>>) src(%arg11 : memref<125x32xf32, #tpu.memory_space<vmem>>) dst(%dma_wait3A_169 : memref<10112x32xf32, #tpu.memory_space<vmem_shared>>)
        tpu.yield
      }) : () -> ()
    }
    %scan3A_58 = arith.constant 79 : i32
    %dma_start3A_59 = arith.constant 159 : i32
    %dma_start3A_60 = arith.constant 0 : i32
    %dma_start3A_61 = tpu.memref_slice %arg8[%dma_start3A_59, %dma_start3A_60] : memref<160x125xi32, #tpu.memory_space<vmem>> -> memref<1x125xi32, #tpu.memory_space<vmem>>
    %dma_start3A_62 = tpu.memref_squeeze %dma_start3A_61 : memref<1x125xi32, #tpu.memory_space<vmem>> -> memref<125xi32, #tpu.memory_space<vmem>>
    %dma_start3A_63 = arith.constant 0 : i32
    %dma_start3A_64 = arith.constant 0 : i32
    %dma_start3A_65 = tpu.memref_slice %arg12[%dma_start3A_63, %dma_start3A_64] : memref<10112x32xf32, #tpu.memory_space<vmem_shared>> -> memref<10112x32xf32, #tpu.memory_space<vmem_shared>>
    tpu.enqueue_indirect_dma source(%dma_start3A_65 : memref<10112x32xf32, #tpu.memory_space<vmem_shared>>) target(%arg11 : memref<125x32xf32, #tpu.memory_space<vmem>>) offsets(%dma_start3A_62 : memref<125xi32, #tpu.memory_space<vmem>>) semaphore(%arg16 : memref<!tpu.dma_semaphore, #tpu.memory_space<semaphore_mem>>)
    %dma_wait3A_66 = arith.constant 158 : i32
    %dma_wait3A_67 = arith.constant 0 : i32
    %dma_wait3A_68 = tpu.memref_slice %arg8[%dma_wait3A_66, %dma_wait3A_67] : memref<160x125xi32, #tpu.memory_space<vmem>> -> memref<1x125xi32, #tpu.memory_space<vmem>>
    %dma_wait3A_69 = tpu.memref_squeeze %dma_wait3A_68 : memref<1x125xi32, #tpu.memory_space<vmem>> -> memref<125xi32, #tpu.memory_space<vmem>>
    %dma_wait3A_70 = arith.constant 0 : i32
    %dma_wait3A_71 = arith.constant 0 : i32
    %dma_wait3A_72 = tpu.memref_slice %arg12[%dma_wait3A_70, %dma_wait3A_71] : memref<10112x32xf32, #tpu.memory_space<vmem_shared>> -> memref<10112x32xf32, #tpu.memory_space<vmem_shared>>
    tpu.wait_indirect_dma semaphore(%arg15 : memref<!tpu.dma_semaphore, #tpu.memory_space<semaphore_mem>>) src(%dma_wait3A_72 : memref<10112x32xf32, #tpu.memory_space<vmem_shared>>) dst(%arg10 : memref<125x32xf32, #tpu.memory_space<vmem>>)
    %run_scoped3A = arith.constant 158 : i32
    "tpu.region"() ({
      %run_scoped3A_121 = tpu.sem_alloc : memref<!tpu.dma_semaphore, #tpu.memory_space<semaphore_mem>>
      %dma_start3A_122 = arith.constant 0 : i32
      %dma_start3A_123 = tpu.memref_slice %arg9[%run_scoped3A, %dma_start3A_122] : memref<160x125xi32, #tpu.memory_space<vmem>> -> memref<1x125xi32, #tpu.memory_space<vmem>>
      %dma_start3A_124 = tpu.memref_squeeze %dma_start3A_123 : memref<1x125xi32, #tpu.memory_space<vmem>> -> memref<125xi32, #tpu.memory_space<vmem>>
      %dma_start3A_125 = arith.constant 0 : i32
      %dma_start3A_126 = arith.constant 0 : i32
      %dma_start3A_127 = tpu.memref_slice %arg13[%dma_start3A_125, %dma_start3A_126] : memref<10112x32xf32, #tpu.memory_space<vmem_shared>> -> memref<10112x32xf32, #tpu.memory_space<vmem_shared>>
      tpu.enqueue_indirect_dma source(%arg10 : memref<125x32xf32, #tpu.memory_space<vmem>>) target(%dma_start3A_127 : memref<10112x32xf32, #tpu.memory_space<vmem_shared>>) offsets(%dma_start3A_124 : memref<125xi32, #tpu.memory_space<vmem>>) semaphore(%run_scoped3A_121 : memref<!tpu.dma_semaphore, #tpu.memory_space<semaphore_mem>>) {add = true}
      %dma_wait3A_128 = arith.constant 0 : i32
      %dma_wait3A_129 = tpu.memref_slice %arg9[%run_scoped3A, %dma_wait3A_128] : memref<160x125xi32, #tpu.memory_space<vmem>> -> memref<1x125xi32, #tpu.memory_space<vmem>>
      %dma_wait3A_130 = tpu.memref_squeeze %dma_wait3A_129 : memref<1x125xi32, #tpu.memory_space<vmem>> -> memref<125xi32, #tpu.memory_space<vmem>>
      %dma_wait3A_131 = arith.constant 0 : i32
      %dma_wait3A_132 = arith.constant 0 : i32
      %dma_wait3A_133 = tpu.memref_slice %arg13[%dma_wait3A_131, %dma_wait3A_132] : memref<10112x32xf32, #tpu.memory_space<vmem_shared>> -> memref<10112x32xf32, #tpu.memory_space<vmem_shared>>
      tpu.wait_indirect_dma semaphore(%run_scoped3A_121 : memref<!tpu.dma_semaphore, #tpu.memory_space<semaphore_mem>>) src(%arg10 : memref<125x32xf32, #tpu.memory_space<vmem>>) dst(%dma_wait3A_133 : memref<10112x32xf32, #tpu.memory_space<vmem_shared>>)
      tpu.yield
    }) : () -> ()
    %dma_wait3A_73 = arith.constant 159 : i32
    %dma_wait3A_74 = arith.constant 0 : i32
    %dma_wait3A_75 = tpu.memref_slice %arg8[%dma_wait3A_73, %dma_wait3A_74] : memref<160x125xi32, #tpu.memory_space<vmem>> -> memref<1x125xi32, #tpu.memory_space<vmem>>
    %dma_wait3A_76 = tpu.memref_squeeze %dma_wait3A_75 : memref<1x125xi32, #tpu.memory_space<vmem>> -> memref<125xi32, #tpu.memory_space<vmem>>
    %dma_wait3A_77 = arith.constant 0 : i32
    %dma_wait3A_78 = arith.constant 0 : i32
    %dma_wait3A_79 = tpu.memref_slice %arg12[%dma_wait3A_77, %dma_wait3A_78] : memref<10112x32xf32, #tpu.memory_space<vmem_shared>> -> memref<10112x32xf32, #tpu.memory_space<vmem_shared>>
    tpu.wait_indirect_dma semaphore(%arg16 : memref<!tpu.dma_semaphore, #tpu.memory_space<semaphore_mem>>) src(%dma_wait3A_79 : memref<10112x32xf32, #tpu.memory_space<vmem_shared>>) dst(%arg11 : memref<125x32xf32, #tpu.memory_space<vmem>>)
    %run_scoped3A_80 = arith.constant 159 : i32
    "tpu.region"() ({
      %run_scoped3A_121 = tpu.sem_alloc : memref<!tpu.dma_semaphore, #tpu.memory_space<semaphore_mem>>
      %dma_start3A_122 = arith.constant 0 : i32
      %dma_start3A_123 = tpu.memref_slice %arg9[%run_scoped3A_80, %dma_start3A_122] : memref<160x125xi32, #tpu.memory_space<vmem>> -> memref<1x125xi32, #tpu.memory_space<vmem>>
      %dma_start3A_124 = tpu.memref_squeeze %dma_start3A_123 : memref<1x125xi32, #tpu.memory_space<vmem>> -> memref<125xi32, #tpu.memory_space<vmem>>
      %dma_start3A_125 = arith.constant 0 : i32
      %dma_start3A_126 = arith.constant 0 : i32
      %dma_start3A_127 = tpu.memref_slice %arg13[%dma_start3A_125, %dma_start3A_126] : memref<10112x32xf32, #tpu.memory_space<vmem_shared>> -> memref<10112x32xf32, #tpu.memory_space<vmem_shared>>
      tpu.enqueue_indirect_dma source(%arg11 : memref<125x32xf32, #tpu.memory_space<vmem>>) target(%dma_start3A_127 : memref<10112x32xf32, #tpu.memory_space<vmem_shared>>) offsets(%dma_start3A_124 : memref<125xi32, #tpu.memory_space<vmem>>) semaphore(%run_scoped3A_121 : memref<!tpu.dma_semaphore, #tpu.memory_space<semaphore_mem>>) {add = true}
      %dma_wait3A_128 = arith.constant 0 : i32
      %dma_wait3A_129 = tpu.memref_slice %arg9[%run_scoped3A_80, %dma_wait3A_128] : memref<160x125xi32, #tpu.memory_space<vmem>> -> memref<1x125xi32, #tpu.memory_space<vmem>>
      %dma_wait3A_130 = tpu.memref_squeeze %dma_wait3A_129 : memref<1x125xi32, #tpu.memory_space<vmem>> -> memref<125xi32, #tpu.memory_space<vmem>>
      %dma_wait3A_131 = arith.constant 0 : i32
      %dma_wait3A_132 = arith.constant 0 : i32
      %dma_wait3A_133 = tpu.memref_slice %arg13[%dma_wait3A_131, %dma_wait3A_132] : memref<10112x32xf32, #tpu.memory_space<vmem_shared>> -> memref<10112x32xf32, #tpu.memory_space<vmem_shared>>
      tpu.wait_indirect_dma semaphore(%run_scoped3A_121 : memref<!tpu.dma_semaphore, #tpu.memory_space<semaphore_mem>>) src(%arg11 : memref<125x32xf32, #tpu.memory_space<vmem>>) dst(%dma_wait3A_133 : memref<10112x32xf32, #tpu.memory_space<vmem_shared>>)
      tpu.yield
    }) : () -> ()
    %dma_wait3A_81 = arith.constant 0 : i32
    %dma_wait3A_82 = tpu.memref_slice %arg14[%mul3A_0, %dma_wait3A_81] : memref<10112x32xf32, #tpu.memory_space<vmem_shared>> -> memref<632x32xf32, #tpu.memory_space<vmem_shared>>
    %dma_wait3A_83 = tpu.memref_slice %arg6[%mul3A_0, %mul3A_2] : memref<10112x64xf32, #tpu.memory_space<hbm>> -> memref<632x32xf32, #tpu.memory_space<hbm>>
    tpu.wait_dma2 semaphore(%arg19 : memref<!tpu.dma_semaphore, #tpu.memory_space<semaphore_mem>>) src(%dma_wait3A_83 : memref<632x32xf32, #tpu.memory_space<hbm>>) dst(%dma_wait3A_82 : memref<632x32xf32, #tpu.memory_space<vmem_shared>>)
    %barrier3A_84 = arith.constant 0 : index
    tpu.barrier barrier_id(%barrier3A_84)
    %dma_start3A_85 = arith.constant 0 : i32
    %dma_start3A_86 = arith.constant 0 : i32
    %dma_start3A_87 = tpu.memref_slice %arg8[%dma_start3A_85, %dma_start3A_86] : memref<160x125xi32, #tpu.memory_space<vmem>> -> memref<1x125xi32, #tpu.memory_space<vmem>>
    %dma_start3A_88 = tpu.memref_squeeze %dma_start3A_87 : memref<1x125xi32, #tpu.memory_space<vmem>> -> memref<125xi32, #tpu.memory_space<vmem>>
    %dma_start3A_89 = arith.constant 0 : i32
    %dma_start3A_90 = arith.constant 0 : i32
    %dma_start3A_91 = tpu.memref_slice %arg13[%dma_start3A_89, %dma_start3A_90] : memref<10112x32xf32, #tpu.memory_space<vmem_shared>> -> memref<10112x32xf32, #tpu.memory_space<vmem_shared>>
    tpu.enqueue_indirect_dma source(%dma_start3A_91 : memref<10112x32xf32, #tpu.memory_space<vmem_shared>>) target(%arg10 : memref<125x32xf32, #tpu.memory_space<vmem>>) offsets(%dma_start3A_88 : memref<125xi32, #tpu.memory_space<vmem>>) semaphore(%arg15 : memref<!tpu.dma_semaphore, #tpu.memory_space<semaphore_mem>>)
    %scan3A_92 = arith.constant 0 : i32
    %scan3A_93 = arith.constant 79 : i32
    %scan3A_94 = arith.addi %scan3A_92, %scan3A_93 : i32
    %scan3A_95 = arith.constant 1 : i32
    scf.for %scan3A_121 = %scan3A_92 to %scan3A_94 step %scan3A_95  : i32 {
      %mul3A_122 = arith.constant 1 : i32
      %mul3A_123 = arith.muli %scan3A_121, %mul3A_122 : i32
      %add3A = arith.constant 0 : i32
      %add3A_124 = arith.addi %add3A, %mul3A_123 : i32
      %mul3A_125 = arith.constant 2 : i32
      %mul3A_126 = arith.muli %mul3A_125, %add3A_124 : i32
      %add3A_127 = arith.constant 1 : i32
      %add3A_128 = arith.addi %mul3A_126, %add3A_127 : i32
      %dma_start3A_129 = arith.constant 0 : i32
      %dma_start3A_130 = tpu.memref_slice %arg8[%add3A_128, %dma_start3A_129] : memref<160x125xi32, #tpu.memory_space<vmem>> -> memref<1x125xi32, #tpu.memory_space<vmem>>
      %dma_start3A_131 = tpu.memref_squeeze %dma_start3A_130 : memref<1x125xi32, #tpu.memory_space<vmem>> -> memref<125xi32, #tpu.memory_space<vmem>>
      %dma_start3A_132 = arith.constant 0 : i32
      %dma_start3A_133 = arith.constant 0 : i32
      %dma_start3A_134 = tpu.memref_slice %arg13[%dma_start3A_132, %dma_start3A_133] : memref<10112x32xf32, #tpu.memory_space<vmem_shared>> -> memref<10112x32xf32, #tpu.memory_space<vmem_shared>>
      tpu.enqueue_indirect_dma source(%dma_start3A_134 : memref<10112x32xf32, #tpu.memory_space<vmem_shared>>) target(%arg11 : memref<125x32xf32, #tpu.memory_space<vmem>>) offsets(%dma_start3A_131 : memref<125xi32, #tpu.memory_space<vmem>>) semaphore(%arg16 : memref<!tpu.dma_semaphore, #tpu.memory_space<semaphore_mem>>)
      %dma_wait3A_135 = arith.constant 0 : i32
      %dma_wait3A_136 = tpu.memref_slice %arg8[%mul3A_126, %dma_wait3A_135] : memref<160x125xi32, #tpu.memory_space<vmem>> -> memref<1x125xi32, #tpu.memory_space<vmem>>
      %dma_wait3A_137 = tpu.memref_squeeze %dma_wait3A_136 : memref<1x125xi32, #tpu.memory_space<vmem>> -> memref<125xi32, #tpu.memory_space<vmem>>
      %dma_wait3A_138 = arith.constant 0 : i32
      %dma_wait3A_139 = arith.constant 0 : i32
      %dma_wait3A_140 = tpu.memref_slice %arg13[%dma_wait3A_138, %dma_wait3A_139] : memref<10112x32xf32, #tpu.memory_space<vmem_shared>> -> memref<10112x32xf32, #tpu.memory_space<vmem_shared>>
      tpu.wait_indirect_dma semaphore(%arg15 : memref<!tpu.dma_semaphore, #tpu.memory_space<semaphore_mem>>) src(%dma_wait3A_140 : memref<10112x32xf32, #tpu.memory_space<vmem_shared>>) dst(%arg10 : memref<125x32xf32, #tpu.memory_space<vmem>>)
      "tpu.region"() ({
        %run_scoped3A_157 = tpu.sem_alloc : memref<!tpu.dma_semaphore, #tpu.memory_space<semaphore_mem>>
        %dma_start3A_158 = arith.constant 0 : i32
        %dma_start3A_159 = tpu.memref_slice %arg9[%mul3A_126, %dma_start3A_158] : memref<160x125xi32, #tpu.memory_space<vmem>> -> memref<1x125xi32, #tpu.memory_space<vmem>>
        %dma_start3A_160 = tpu.memref_squeeze %dma_start3A_159 : memref<1x125xi32, #tpu.memory_space<vmem>> -> memref<125xi32, #tpu.memory_space<vmem>>
        %dma_start3A_161 = arith.constant 0 : i32
        %dma_start3A_162 = arith.constant 0 : i32
        %dma_start3A_163 = tpu.memref_slice %arg14[%dma_start3A_161, %dma_start3A_162] : memref<10112x32xf32, #tpu.memory_space<vmem_shared>> -> memref<10112x32xf32, #tpu.memory_space<vmem_shared>>
        tpu.enqueue_indirect_dma source(%arg10 : memref<125x32xf32, #tpu.memory_space<vmem>>) target(%dma_start3A_163 : memref<10112x32xf32, #tpu.memory_space<vmem_shared>>) offsets(%dma_start3A_160 : memref<125xi32, #tpu.memory_space<vmem>>) semaphore(%run_scoped3A_157 : memref<!tpu.dma_semaphore, #tpu.memory_space<semaphore_mem>>) {add = true}
        %dma_wait3A_164 = arith.constant 0 : i32
        %dma_wait3A_165 = tpu.memref_slice %arg9[%mul3A_126, %dma_wait3A_164] : memref<160x125xi32, #tpu.memory_space<vmem>> -> memref<1x125xi32, #tpu.memory_space<vmem>>
        %dma_wait3A_166 = tpu.memref_squeeze %dma_wait3A_165 : memref<1x125xi32, #tpu.memory_space<vmem>> -> memref<125xi32, #tpu.memory_space<vmem>>
        %dma_wait3A_167 = arith.constant 0 : i32
        %dma_wait3A_168 = arith.constant 0 : i32
        %dma_wait3A_169 = tpu.memref_slice %arg14[%dma_wait3A_167, %dma_wait3A_168] : memref<10112x32xf32, #tpu.memory_space<vmem_shared>> -> memref<10112x32xf32, #tpu.memory_space<vmem_shared>>
        tpu.wait_indirect_dma semaphore(%run_scoped3A_157 : memref<!tpu.dma_semaphore, #tpu.memory_space<semaphore_mem>>) src(%arg10 : memref<125x32xf32, #tpu.memory_space<vmem>>) dst(%dma_wait3A_169 : memref<10112x32xf32, #tpu.memory_space<vmem_shared>>)
        tpu.yield
      }) : () -> ()
      %add3A_141 = arith.constant 2 : i32
      %add3A_142 = arith.addi %mul3A_126, %add3A_141 : i32
      %dma_start3A_143 = arith.constant 0 : i32
      %dma_start3A_144 = tpu.memref_slice %arg8[%add3A_142, %dma_start3A_143] : memref<160x125xi32, #tpu.memory_space<vmem>> -> memref<1x125xi32, #tpu.memory_space<vmem>>
      %dma_start3A_145 = tpu.memref_squeeze %dma_start3A_144 : memref<1x125xi32, #tpu.memory_space<vmem>> -> memref<125xi32, #tpu.memory_space<vmem>>
      %dma_start3A_146 = arith.constant 0 : i32
      %dma_start3A_147 = arith.constant 0 : i32
      %dma_start3A_148 = tpu.memref_slice %arg13[%dma_start3A_146, %dma_start3A_147] : memref<10112x32xf32, #tpu.memory_space<vmem_shared>> -> memref<10112x32xf32, #tpu.memory_space<vmem_shared>>
      tpu.enqueue_indirect_dma source(%dma_start3A_148 : memref<10112x32xf32, #tpu.memory_space<vmem_shared>>) target(%arg10 : memref<125x32xf32, #tpu.memory_space<vmem>>) offsets(%dma_start3A_145 : memref<125xi32, #tpu.memory_space<vmem>>) semaphore(%arg15 : memref<!tpu.dma_semaphore, #tpu.memory_space<semaphore_mem>>)
      %dma_wait3A_149 = arith.constant 0 : i32
      %dma_wait3A_150 = tpu.memref_slice %arg8[%add3A_128, %dma_wait3A_149] : memref<160x125xi32, #tpu.memory_space<vmem>> -> memref<1x125xi32, #tpu.memory_space<vmem>>
      %dma_wait3A_151 = tpu.memref_squeeze %dma_wait3A_150 : memref<1x125xi32, #tpu.memory_space<vmem>> -> memref<125xi32, #tpu.memory_space<vmem>>
      %dma_wait3A_152 = arith.constant 0 : i32
      %dma_wait3A_153 = arith.constant 0 : i32
      %dma_wait3A_154 = tpu.memref_slice %arg13[%dma_wait3A_152, %dma_wait3A_153] : memref<10112x32xf32, #tpu.memory_space<vmem_shared>> -> memref<10112x32xf32, #tpu.memory_space<vmem_shared>>
      tpu.wait_indirect_dma semaphore(%arg16 : memref<!tpu.dma_semaphore, #tpu.memory_space<semaphore_mem>>) src(%dma_wait3A_154 : memref<10112x32xf32, #tpu.memory_space<vmem_shared>>) dst(%arg11 : memref<125x32xf32, #tpu.memory_space<vmem>>)
      %add3A_155 = arith.constant 1 : i32
      %add3A_156 = arith.addi %mul3A_126, %add3A_155 : i32
      "tpu.region"() ({
        %run_scoped3A_157 = tpu.sem_alloc : memref<!tpu.dma_semaphore, #tpu.memory_space<semaphore_mem>>
        %dma_start3A_158 = arith.constant 0 : i32
        %dma_start3A_159 = tpu.memref_slice %arg9[%add3A_156, %dma_start3A_158] : memref<160x125xi32, #tpu.memory_space<vmem>> -> memref<1x125xi32, #tpu.memory_space<vmem>>
        %dma_start3A_160 = tpu.memref_squeeze %dma_start3A_159 : memref<1x125xi32, #tpu.memory_space<vmem>> -> memref<125xi32, #tpu.memory_space<vmem>>
        %dma_start3A_161 = arith.constant 0 : i32
        %dma_start3A_162 = arith.constant 0 : i32
        %dma_start3A_163 = tpu.memref_slice %arg14[%dma_start3A_161, %dma_start3A_162] : memref<10112x32xf32, #tpu.memory_space<vmem_shared>> -> memref<10112x32xf32, #tpu.memory_space<vmem_shared>>
        tpu.enqueue_indirect_dma source(%arg11 : memref<125x32xf32, #tpu.memory_space<vmem>>) target(%dma_start3A_163 : memref<10112x32xf32, #tpu.memory_space<vmem_shared>>) offsets(%dma_start3A_160 : memref<125xi32, #tpu.memory_space<vmem>>) semaphore(%run_scoped3A_157 : memref<!tpu.dma_semaphore, #tpu.memory_space<semaphore_mem>>) {add = true}
        %dma_wait3A_164 = arith.constant 0 : i32
        %dma_wait3A_165 = tpu.memref_slice %arg9[%add3A_156, %dma_wait3A_164] : memref<160x125xi32, #tpu.memory_space<vmem>> -> memref<1x125xi32, #tpu.memory_space<vmem>>
        %dma_wait3A_166 = tpu.memref_squeeze %dma_wait3A_165 : memref<1x125xi32, #tpu.memory_space<vmem>> -> memref<125xi32, #tpu.memory_space<vmem>>
        %dma_wait3A_167 = arith.constant 0 : i32
        %dma_wait3A_168 = arith.constant 0 : i32
        %dma_wait3A_169 = tpu.memref_slice %arg14[%dma_wait3A_167, %dma_wait3A_168] : memref<10112x32xf32, #tpu.memory_space<vmem_shared>> -> memref<10112x32xf32, #tpu.memory_space<vmem_shared>>
        tpu.wait_indirect_dma semaphore(%run_scoped3A_157 : memref<!tpu.dma_semaphore, #tpu.memory_space<semaphore_mem>>) src(%arg11 : memref<125x32xf32, #tpu.memory_space<vmem>>) dst(%dma_wait3A_169 : memref<10112x32xf32, #tpu.memory_space<vmem_shared>>)
        tpu.yield
      }) : () -> ()
    }
    %scan3A_96 = arith.constant 79 : i32
    %dma_start3A_97 = arith.constant 159 : i32
    %dma_start3A_98 = arith.constant 0 : i32
    %dma_start3A_99 = tpu.memref_slice %arg8[%dma_start3A_97, %dma_start3A_98] : memref<160x125xi32, #tpu.memory_space<vmem>> -> memref<1x125xi32, #tpu.memory_space<vmem>>
    %dma_start3A_100 = tpu.memref_squeeze %dma_start3A_99 : memref<1x125xi32, #tpu.memory_space<vmem>> -> memref<125xi32, #tpu.memory_space<vmem>>
    %dma_start3A_101 = arith.constant 0 : i32
    %dma_start3A_102 = arith.constant 0 : i32
    %dma_start3A_103 = tpu.memref_slice %arg13[%dma_start3A_101, %dma_start3A_102] : memref<10112x32xf32, #tpu.memory_space<vmem_shared>> -> memref<10112x32xf32, #tpu.memory_space<vmem_shared>>
    tpu.enqueue_indirect_dma source(%dma_start3A_103 : memref<10112x32xf32, #tpu.memory_space<vmem_shared>>) target(%arg11 : memref<125x32xf32, #tpu.memory_space<vmem>>) offsets(%dma_start3A_100 : memref<125xi32, #tpu.memory_space<vmem>>) semaphore(%arg16 : memref<!tpu.dma_semaphore, #tpu.memory_space<semaphore_mem>>)
    %dma_wait3A_104 = arith.constant 158 : i32
    %dma_wait3A_105 = arith.constant 0 : i32
    %dma_wait3A_106 = tpu.memref_slice %arg8[%dma_wait3A_104, %dma_wait3A_105] : memref<160x125xi32, #tpu.memory_space<vmem>> -> memref<1x125xi32, #tpu.memory_space<vmem>>
    %dma_wait3A_107 = tpu.memref_squeeze %dma_wait3A_106 : memref<1x125xi32, #tpu.memory_space<vmem>> -> memref<125xi32, #tpu.memory_space<vmem>>
    %dma_wait3A_108 = arith.constant 0 : i32
    %dma_wait3A_109 = arith.constant 0 : i32
    %dma_wait3A_110 = tpu.memref_slice %arg13[%dma_wait3A_108, %dma_wait3A_109] : memref<10112x32xf32, #tpu.memory_space<vmem_shared>> -> memref<10112x32xf32, #tpu.memory_space<vmem_shared>>
    tpu.wait_indirect_dma semaphore(%arg15 : memref<!tpu.dma_semaphore, #tpu.memory_space<semaphore_mem>>) src(%dma_wait3A_110 : memref<10112x32xf32, #tpu.memory_space<vmem_shared>>) dst(%arg10 : memref<125x32xf32, #tpu.memory_space<vmem>>)
    %run_scoped3A_111 = arith.constant 158 : i32
    "tpu.region"() ({
      %run_scoped3A_121 = tpu.sem_alloc : memref<!tpu.dma_semaphore, #tpu.memory_space<semaphore_mem>>
      %dma_start3A_122 = arith.constant 0 : i32
      %dma_start3A_123 = tpu.memref_slice %arg9[%run_scoped3A_111, %dma_start3A_122] : memref<160x125xi32, #tpu.memory_space<vmem>> -> memref<1x125xi32, #tpu.memory_space<vmem>>
      %dma_start3A_124 = tpu.memref_squeeze %dma_start3A_123 : memref<1x125xi32, #tpu.memory_space<vmem>> -> memref<125xi32, #tpu.memory_space<vmem>>
      %dma_start3A_125 = arith.constant 0 : i32
      %dma_start3A_126 = arith.constant 0 : i32
      %dma_start3A_127 = tpu.memref_slice %arg14[%dma_start3A_125, %dma_start3A_126] : memref<10112x32xf32, #tpu.memory_space<vmem_shared>> -> memref<10112x32xf32, #tpu.memory_space<vmem_shared>>
      tpu.enqueue_indirect_dma source(%arg10 : memref<125x32xf32, #tpu.memory_space<vmem>>) target(%dma_start3A_127 : memref<10112x32xf32, #tpu.memory_space<vmem_shared>>) offsets(%dma_start3A_124 : memref<125xi32, #tpu.memory_space<vmem>>) semaphore(%run_scoped3A_121 : memref<!tpu.dma_semaphore, #tpu.memory_space<semaphore_mem>>) {add = true}
      %dma_wait3A_128 = arith.constant 0 : i32
      %dma_wait3A_129 = tpu.memref_slice %arg9[%run_scoped3A_111, %dma_wait3A_128] : memref<160x125xi32, #tpu.memory_space<vmem>> -> memref<1x125xi32, #tpu.memory_space<vmem>>
      %dma_wait3A_130 = tpu.memref_squeeze %dma_wait3A_129 : memref<1x125xi32, #tpu.memory_space<vmem>> -> memref<125xi32, #tpu.memory_space<vmem>>
      %dma_wait3A_131 = arith.constant 0 : i32
      %dma_wait3A_132 = arith.constant 0 : i32
      %dma_wait3A_133 = tpu.memref_slice %arg14[%dma_wait3A_131, %dma_wait3A_132] : memref<10112x32xf32, #tpu.memory_space<vmem_shared>> -> memref<10112x32xf32, #tpu.memory_space<vmem_shared>>
      tpu.wait_indirect_dma semaphore(%run_scoped3A_121 : memref<!tpu.dma_semaphore, #tpu.memory_space<semaphore_mem>>) src(%arg10 : memref<125x32xf32, #tpu.memory_space<vmem>>) dst(%dma_wait3A_133 : memref<10112x32xf32, #tpu.memory_space<vmem_shared>>)
      tpu.yield
    }) : () -> ()
    %dma_wait3A_112 = arith.constant 159 : i32
    %dma_wait3A_113 = arith.constant 0 : i32
    %dma_wait3A_114 = tpu.memref_slice %arg8[%dma_wait3A_112, %dma_wait3A_113] : memref<160x125xi32, #tpu.memory_space<vmem>> -> memref<1x125xi32, #tpu.memory_space<vmem>>
    %dma_wait3A_115 = tpu.memref_squeeze %dma_wait3A_114 : memref<1x125xi32, #tpu.memory_space<vmem>> -> memref<125xi32, #tpu.memory_space<vmem>>
    %dma_wait3A_116 = arith.constant 0 : i32
    %dma_wait3A_117 = arith.constant 0 : i32
    %dma_wait3A_118 = tpu.memref_slice %arg13[%dma_wait3A_116, %dma_wait3A_117] : memref<10112x32xf32, #tpu.memory_space<vmem_shared>> -> memref<10112x32xf32, #tpu.memory_space<vmem_shared>>
    tpu.wait_indirect_dma semaphore(%arg16 : memref<!tpu.dma_semaphore, #tpu.memory_space<semaphore_mem>>) src(%dma_wait3A_118 : memref<10112x32xf32, #tpu.memory_space<vmem_shared>>) dst(%arg11 : memref<125x32xf32, #tpu.memory_space<vmem>>)
    %run_scoped3A_119 = arith.constant 159 : i32
    "tpu.region"() ({
      %run_scoped3A_121 = tpu.sem_alloc : memref<!tpu.dma_semaphore, #tpu.memory_space<semaphore_mem>>
      %dma_start3A_122 = arith.constant 0 : i32
      %dma_start3A_123 = tpu.memref_slice %arg9[%run_scoped3A_119, %dma_start3A_122] : memref<160x125xi32, #tpu.memory_space<vmem>> -> memref<1x125xi32, #tpu.memory_space<vmem>>
      %dma_start3A_124 = tpu.memref_squeeze %dma_start3A_123 : memref<1x125xi32, #tpu.memory_space<vmem>> -> memref<125xi32, #tpu.memory_space<vmem>>
      %dma_start3A_125 = arith.constant 0 : i32
      %dma_start3A_126 = arith.constant 0 : i32
      %dma_start3A_127 = tpu.memref_slice %arg14[%dma_start3A_125, %dma_start3A_126] : memref<10112x32xf32, #tpu.memory_space<vmem_shared>> -> memref<10112x32xf32, #tpu.memory_space<vmem_shared>>
      tpu.enqueue_indirect_dma source(%arg11 : memref<125x32xf32, #tpu.memory_space<vmem>>) target(%dma_start3A_127 : memref<10112x32xf32, #tpu.memory_space<vmem_shared>>) offsets(%dma_start3A_124 : memref<125xi32, #tpu.memory_space<vmem>>) semaphore(%run_scoped3A_121 : memref<!tpu.dma_semaphore, #tpu.memory_space<semaphore_mem>>) {add = true}
      %dma_wait3A_128 = arith.constant 0 : i32
      %dma_wait3A_129 = tpu.memref_slice %arg9[%run_scoped3A_119, %dma_wait3A_128] : memref<160x125xi32, #tpu.memory_space<vmem>> -> memref<1x125xi32, #tpu.memory_space<vmem>>
      %dma_wait3A_130 = tpu.memref_squeeze %dma_wait3A_129 : memref<1x125xi32, #tpu.memory_space<vmem>> -> memref<125xi32, #tpu.memory_space<vmem>>
      %dma_wait3A_131 = arith.constant 0 : i32
      %dma_wait3A_132 = arith.constant 0 : i32
      %dma_wait3A_133 = tpu.memref_slice %arg14[%dma_wait3A_131, %dma_wait3A_132] : memref<10112x32xf32, #tpu.memory_space<vmem_shared>> -> memref<10112x32xf32, #tpu.memory_space<vmem_shared>>
      tpu.wait_indirect_dma semaphore(%run_scoped3A_121 : memref<!tpu.dma_semaphore, #tpu.memory_space<semaphore_mem>>) src(%arg11 : memref<125x32xf32, #tpu.memory_space<vmem>>) dst(%dma_wait3A_133 : memref<10112x32xf32, #tpu.memory_space<vmem_shared>>)
      tpu.yield
    }) : () -> ()
    %barrier3A_120 = arith.constant 0 : index
    tpu.barrier barrier_id(%barrier3A_120)
    "tpu.region"() ({
      %run_scoped3A_121 = tpu.sem_alloc : memref<!tpu.dma_semaphore, #tpu.memory_space<semaphore_mem>>
      %dma_start3A_122 = tpu.memref_slice %arg7[%mul3A_0, %mul3A_2] : memref<10112x64xf32, #tpu.memory_space<hbm>> -> memref<632x32xf32, #tpu.memory_space<hbm>>
      %dma_start3A_123 = arith.constant 0 : i32
      %dma_start3A_124 = tpu.memref_slice %arg14[%mul3A_0, %dma_start3A_123] : memref<10112x32xf32, #tpu.memory_space<vmem_shared>> -> memref<632x32xf32, #tpu.memory_space<vmem_shared>>
      tpu.enqueue_dma source(%dma_start3A_124 : memref<632x32xf32, #tpu.memory_space<vmem_shared>>) target(%dma_start3A_122 : memref<632x32xf32, #tpu.memory_space<hbm>>) target_semaphore(%run_scoped3A_121 : memref<!tpu.dma_semaphore, #tpu.memory_space<semaphore_mem>>)
      %dma_wait3A_125 = tpu.memref_slice %arg7[%mul3A_0, %mul3A_2] : memref<10112x64xf32, #tpu.memory_space<hbm>> -> memref<632x32xf32, #tpu.memory_space<hbm>>
      %dma_wait3A_126 = arith.constant 0 : i32
      %dma_wait3A_127 = tpu.memref_slice %arg14[%mul3A_0, %dma_wait3A_126] : memref<10112x32xf32, #tpu.memory_space<vmem_shared>> -> memref<632x32xf32, #tpu.memory_space<vmem_shared>>
      tpu.wait_dma2 semaphore(%run_scoped3A_121 : memref<!tpu.dma_semaphore, #tpu.memory_space<semaphore_mem>>) src(%dma_wait3A_127 : memref<632x32xf32, #tpu.memory_space<vmem_shared>>) dst(%dma_wait3A_125 : memref<632x32xf32, #tpu.memory_space<hbm>>)
      tpu.yield
    }) : () -> ()
    return
  }
}

module attributes {stable_mosaic.version = 14 : i64} {
  func.func @body(%arg0: memref<10000x128xf32, #tpu.memory_space<vmem>>, %arg1: memref<128x64xf32, #tpu.memory_space<vmem>>, %arg2: memref<10112x64xf32, #tpu.memory_space<vmem>>) attributes {dimension_semantics = [], scalar_prefetch = 0 : i64, scratch_operands = 0 : i64, tpu.core_type = #tpu.core_type<tc>} {
    %get3A = arith.constant 0 : index
    %get3A_0 = arith.constant 0 : index
    %get3A_1 = vector.load %arg0[%get3A, %get3A_0] : memref<10000x128xf32, #tpu.memory_space<vmem>>, vector<10000x128xf32>
    %get3A_2 = arith.constant 0 : index
    %get3A_3 = arith.constant 0 : index
    %get3A_4 = vector.load %arg1[%get3A_2, %get3A_3] : memref<128x64xf32, #tpu.memory_space<vmem>>, vector<128x64xf32>
    %dot_general3A = arith.constant dense<0.000000e+00> : vector<10000x64xf32>
    %dot_general3A_5 = tpu.matmul %get3A_1, %get3A_4, %dot_general3A {dimension_numbers = #tpu.dot_dimension_numbers<[1], [0], [0], [1], [0, 0, 1, 1], [], []>, transpose_lhs_hint = false} : vector<10000x128xf32>, vector<128x64xf32>, vector<10000x64xf32> -> vector<10000x64xf32>
    %swap3A = arith.constant 0 : index
    %swap3A_6 = arith.constant 0 : index
    %swap3A_7 = vector.load %arg2[%swap3A, %swap3A_6] : memref<10112x64xf32, #tpu.memory_space<vmem>>, vector<10000x64xf32>
    tpu.vector_store %arg2[%swap3A, %swap3A_6], %dot_general3A_5 {strides = array<i32>} : memref<10112x64xf32, #tpu.memory_space<vmem>>, vector<10000x64xf32>,
    return
  }
}

module attributes {stable_mosaic.version = 14 : i64} {
  func.func @body(%arg0: memref<10112x64xf32, #tpu.memory_space<vmem>>, %arg1: memref<64x64xf32, #tpu.memory_space<vmem>>, %arg2: memref<1x64xf32, #tpu.memory_space<vmem>>, %arg3: memref<1x64xf32, #tpu.memory_space<vmem>>, %arg4: memref<1x1xf32, #tpu.memory_space<vmem>>, %arg5: memref<64x32xf32, #tpu.memory_space<vmem>>, %arg6: memref<1x32xf32, #tpu.memory_space<vmem>>, %arg7: memref<32x1xf32, #tpu.memory_space<vmem>>, %arg8: memref<1x1xf32, #tpu.memory_space<vmem>>, %arg9: memref<1x1xf32, #tpu.memory_space<vmem>>) attributes {dimension_semantics = [], scalar_prefetch = 0 : i64, scratch_operands = 0 : i64, tpu.core_type = #tpu.core_type<tc>} {
    %get3A = arith.constant 0 : index
    %get3A_0 = arith.constant 0 : index
    %get3A_1 = vector.load %arg0[%get3A, %get3A_0] : memref<10112x64xf32, #tpu.memory_space<vmem>>, vector<10112x64xf32>
    %get3A_2 = arith.constant 0 : index
    %get3A_3 = arith.constant 0 : index
    %get3A_4 = vector.load %arg1[%get3A_2, %get3A_3] : memref<64x64xf32, #tpu.memory_space<vmem>>, vector<64x64xf32>
    %dot_general3A = arith.constant dense<0.000000e+00> : vector<10112x64xf32>
    %dot_general3A_5 = tpu.matmul %get3A_1, %get3A_4, %dot_general3A {dimension_numbers = #tpu.dot_dimension_numbers<[1], [0], [0], [1], [0, 0, 1, 1], [], []>, transpose_lhs_hint = false} : vector<10112x64xf32>, vector<64x64xf32>, vector<10112x64xf32> -> vector<10112x64xf32>
    %get3A_6 = arith.constant 0 : index
    %get3A_7 = arith.constant 0 : index
    %get3A_8 = vector.load %arg2[%get3A_6, %get3A_7] : memref<1x64xf32, #tpu.memory_space<vmem>>, vector<1x64xf32>
    %add3A = vector.broadcast %get3A_8 : vector<1x64xf32> to vector<10112x64xf32>
    %add3A_9 = arith.addf %dot_general3A_5, %add3A : vector<10112x64xf32>
    %gt3A = arith.constant 0.000000e+00 : f32
    %gt3A_10 = vector.broadcast %gt3A : f32 to vector<10112x64xf32>
    %gt3A_11 = arith.cmpf ogt, %add3A_9, %gt3A_10 : vector<10112x64xf32>
    %exp3A = math.exp %add3A_9 : vector<10112x64xf32>
    %sub3A = arith.constant 1.000000e+00 : f32
    %sub3A_12 = vector.broadcast %sub3A : f32 to vector<10112x64xf32>
    %sub3A_13 = arith.subf %exp3A, %sub3A_12 : vector<10112x64xf32>
    %mul3A = arith.constant 1.67326319 : f32
    %mul3A_14 = vector.broadcast %mul3A : f32 to vector<10112x64xf32>
    %mul3A_15 = arith.mulf %mul3A_14, %sub3A_13 : vector<10112x64xf32>
    %select_n3A = arith.select %gt3A_11, %add3A_9, %mul3A_15 : vector<10112x64xi1>, vector<10112x64xf32>
    %mul3A_16 = arith.constant 1.05070102 : f32
    %mul3A_17 = vector.broadcast %mul3A_16 : f32 to vector<10112x64xf32>
    %mul3A_18 = arith.mulf %mul3A_17, %select_n3A : vector<10112x64xf32>
    %get3A_19 = arith.constant 0 : index
    %get3A_20 = arith.constant 0 : index
    %get3A_21 = vector.load %arg3[%get3A_19, %get3A_20] : memref<1x64xf32, #tpu.memory_space<vmem>>, vector<1x64xf32>
    %mul3A_22 = vector.broadcast %get3A_21 : vector<1x64xf32> to vector<10112x64xf32>
    %mul3A_23 = arith.mulf %mul3A_18, %mul3A_22 : vector<10112x64xf32>
    %reduce_sum3A = arith.constant dense<0.000000e+00> : vector<10112xf32>
    %reduce_sum3A_24 = vector.multi_reduction <add>, %mul3A_23, %reduce_sum3A [1] : vector<10112x64xf32> to vector<10112xf32>
    %broadcast_in_dim3A = vector.shape_cast %reduce_sum3A_24 : vector<10112xf32> to vector<10112x1xf32>
    %get3A_25 = arith.constant 0 : index
    %get3A_26 = arith.constant 0 : index
    %get3A_27 = vector.load %arg4[%get3A_25, %get3A_26] : memref<1x1xf32, #tpu.memory_space<vmem>>, vector<1x1xf32>
    %get3A_28 = vector.extract %get3A_27[0, 0] : f32 from vector<1x1xf32>
    %add3A_29 = vector.broadcast %get3A_28 : f32 to vector<10112x1xf32>
    %add3A_30 = arith.addf %broadcast_in_dim3A, %add3A_29 : vector<10112x1xf32>
    %iota3A = tpu.iota {dimensions = array<i32: 0>} : vector<10112x1xi32>
    %lt3A = arith.constant 10000 : i32
    %lt3A_31 = vector.broadcast %lt3A : i32 to vector<10112x1xi32>
    %lt3A_32 = arith.cmpi slt, %iota3A, %lt3A_31 : vector<10112x1xi32>
    %jit3A = arith.constant 0xFF800000 : f32
    %broadcast_in_dim3A_33 = vector.broadcast %jit3A : f32 to vector<10112x1xf32>
    %select_n3A_34 = arith.select %lt3A_32, %add3A_30, %broadcast_in_dim3A_33 : vector<10112x1xi1>, vector<10112x1xf32>
    %reduce_max3A = vector.shape_cast %select_n3A_34 : vector<10112x1xf32> to vector<1x10112x1xf32>
    %reduce_max3A_35 = arith.constant dense<0xFF800000> : vector<1xf32>
    %reduce_max3A_36 = vector.multi_reduction <maximumf>, %reduce_max3A, %reduce_max3A_35 [1, 2] : vector<1x10112x1xf32> to vector<1xf32>
    %reduce_max3A_37 = vector.shape_cast %reduce_max3A_36 : vector<1xf32> to vector<1x1x1xf32>
    %reduce_max3A_38 = vector.extract %reduce_max3A_37[0, 0, 0] : f32 from vector<1x1x1xf32>
    %sub3A_39 = vector.broadcast %reduce_max3A_38 : f32 to vector<10112x1xf32>
    %sub3A_40 = arith.subf %select_n3A_34, %sub3A_39 : vector<10112x1xf32>
    %exp3A_41 = math.exp %sub3A_40 : vector<10112x1xf32>
    %reduce_sum3A_42 = vector.shape_cast %exp3A_41 : vector<10112x1xf32> to vector<1x10112x1xf32>
    %reduce_sum3A_43 = arith.constant dense<0.000000e+00> : vector<1xf32>
    %reduce_sum3A_44 = vector.multi_reduction <add>, %reduce_sum3A_42, %reduce_sum3A_43 [1, 2] : vector<1x10112x1xf32> to vector<1xf32>
    %reduce_sum3A_45 = vector.shape_cast %reduce_sum3A_44 : vector<1xf32> to vector<1x1x1xf32>
    %reduce_sum3A_46 = vector.extract %reduce_sum3A_45[0, 0, 0] : f32 from vector<1x1x1xf32>
    %mul3A_47 = vector.broadcast %exp3A_41 : vector<10112x1xf32> to vector<10112x64xf32>
    %mul3A_48 = arith.mulf %mul3A_47, %mul3A_18 : vector<10112x64xf32>
    %reduce_sum3A_49 = arith.constant dense<0.000000e+00> : vector<64xf32>
    %reduce_sum3A_50 = vector.multi_reduction <add>, %mul3A_48, %reduce_sum3A_49 [0] : vector<10112x64xf32> to vector<64xf32>
    %broadcast_in_dim3A_51 = vector.shape_cast %reduce_sum3A_50 : vector<64xf32> to vector<1x64xf32>
    %div3A = vector.broadcast %reduce_sum3A_46 : f32 to vector<1x64xf32>
    %div3A_52 = arith.divf %broadcast_in_dim3A_51, %div3A : vector<1x64xf32>
    %get3A_53 = arith.constant 0 : index
    %get3A_54 = arith.constant 0 : index
    %get3A_55 = vector.load %arg5[%get3A_53, %get3A_54] : memref<64x32xf32, #tpu.memory_space<vmem>>, vector<64x32xf32>
    %dot_general3A_56 = arith.constant dense<0.000000e+00> : vector<1x32xf32>
    %dot_general3A_57 = tpu.matmul %div3A_52, %get3A_55, %dot_general3A_56 {dimension_numbers = #tpu.dot_dimension_numbers<[1], [0], [0], [1], [0, 0, 1, 1], [], []>, transpose_lhs_hint = false} : vector<1x64xf32>, vector<64x32xf32>, vector<1x32xf32> -> vector<1x32xf32>
    %get3A_58 = arith.constant 0 : index
    %get3A_59 = arith.constant 0 : index
    %get3A_60 = vector.load %arg6[%get3A_58, %get3A_59] : memref<1x32xf32, #tpu.memory_space<vmem>>, vector<1x32xf32>
    %add3A_61 = arith.addf %dot_general3A_57, %get3A_60 : vector<1x32xf32>
    %gt3A_62 = arith.constant 0.000000e+00 : f32
    %gt3A_63 = vector.broadcast %gt3A_62 : f32 to vector<1x32xf32>
    %gt3A_64 = arith.cmpf ogt, %add3A_61, %gt3A_63 : vector<1x32xf32>
    %exp3A_65 = math.exp %add3A_61 : vector<1x32xf32>
    %sub3A_66 = arith.constant 1.000000e+00 : f32
    %sub3A_67 = vector.broadcast %sub3A_66 : f32 to vector<1x32xf32>
    %sub3A_68 = arith.subf %exp3A_65, %sub3A_67 : vector<1x32xf32>
    %mul3A_69 = arith.constant 1.67326319 : f32
    %mul3A_70 = vector.broadcast %mul3A_69 : f32 to vector<1x32xf32>
    %mul3A_71 = arith.mulf %mul3A_70, %sub3A_68 : vector<1x32xf32>
    %select_n3A_72 = arith.select %gt3A_64, %add3A_61, %mul3A_71 : vector<1x32xi1>, vector<1x32xf32>
    %mul3A_73 = arith.constant 1.05070102 : f32
    %mul3A_74 = vector.broadcast %mul3A_73 : f32 to vector<1x32xf32>
    %mul3A_75 = arith.mulf %mul3A_74, %select_n3A_72 : vector<1x32xf32>
    %get3A_76 = arith.constant 0 : index
    %get3A_77 = arith.constant 0 : index
    %get3A_78 = vector.load %arg7[%get3A_76, %get3A_77] : memref<32x1xf32, #tpu.memory_space<vmem>>, vector<32x1xf32>
    %dot_general3A_79 = arith.constant dense<0.000000e+00> : vector<1x1xf32>
    %dot_general3A_80 = tpu.matmul %mul3A_75, %get3A_78, %dot_general3A_79 {dimension_numbers = #tpu.dot_dimension_numbers<[1], [0], [0], [1], [0, 0, 1, 1], [], []>, transpose_lhs_hint = false} : vector<1x32xf32>, vector<32x1xf32>, vector<1x1xf32> -> vector<1x1xf32>
    %get3A_81 = arith.constant 0 : index
    %get3A_82 = arith.constant 0 : index
    %get3A_83 = vector.load %arg8[%get3A_81, %get3A_82] : memref<1x1xf32, #tpu.memory_space<vmem>>, vector<1x1xf32>
    %add3A_84 = arith.addf %dot_general3A_80, %get3A_83 : vector<1x1xf32>
    %logistic3A = arith.negf %add3A_84 : vector<1x1xf32>
    %logistic3A_85 = math.exp %logistic3A : vector<1x1xf32>
    %logistic3A_86 = arith.constant 1.000000e+00 : f32
    %logistic3A_87 = vector.broadcast %logistic3A_86 : f32 to vector<1x1xf32>
    %logistic3A_88 = arith.addf %logistic3A_87, %logistic3A_85 : vector<1x1xf32>
    %logistic3A_89 = arith.divf %logistic3A_87, %logistic3A_88 : vector<1x1xf32>
    %swap3A = arith.constant 0 : index
    %swap3A_90 = arith.constant 0 : index
    %swap3A_91 = vector.load %arg9[%swap3A, %swap3A_90] : memref<1x1xf32, #tpu.memory_space<vmem>>, vector<1x1xf32>
    tpu.vector_store %arg9[%swap3A, %swap3A_90], %logistic3A_89 {strides = array<i32>} : memref<1x1xf32, #tpu.memory_space<vmem>>, vector<1x1xf32>,
    return
  }
}

</mosaic_0001>

<sc_bundles>
// kernel: kernel.5.cloned.1.call-start
scs
__scs_entry_jumppad:
0x0: {  	(pc) =	sbr.rel $0x88, $3  }
0x1: {  	(tag) =	ssettag $0x0;
	lr =	simm.s32 $0x1  }
0x2: {  	[smem:$0x3F95] =	sst lr;
	_ =	strace $0xD0000000  }
0x3: {  	_ = 	snop  }
0x4: {  	_ = 	snop  }
0x5: {  	_ = 	snop  }
0x6: {  	_ = 	snop  }
0x7: {  	_ = 	snop  }
__scs_overlays_trampoline_lowered:
0x8: {  	[smem:$0x3FA4] =	sst s0  }
0x9: {  	[smem:$0x3FA5] =	sst s1  }
0xa: {  	[smem:$0x3FA6] =	sst s2  }
0xb: {  	[smem:$0x3FA7] =	sst s3  }
0xc: {  	[smem:$0x3FA8] =	sst s4  }
0xd: {  	[smem:$0x3FA9] =	sst s5  }
0xe: {  	[smem:$0x3FAA] =	sst s6  }
0xf: {  	[smem:$0x3FAB] =	sst s7  }
0x10: {  	[smem:$0x3FAC] =	sst s8  }
0x11: {  	[smem:$0x3FAD] =	sst s9;
	s0 =	simm.s32 @!p0 $0x0  }
0x12: {  	s1 =	sld [smem:$0x3F93];
	s0 =	simm.s32 @p0 $0x1  }
0x13: {  	[smem:$0x3FAE] =	sst s0;
	s0 =	simm.s32 @!p1 $0x0  }
0x14: {  	s2 =	sld [smem:$0x3F92];
	s0 =	simm.s32 @p1 $0x1  }
0x15: {  	[smem:$0x3FAF] =	sst s0;
	s0 =	simm.s32 @!p2 $0x0  }
0x16: {  	s3 =	sld [smem:$0x3FDB];
	s0 =	simm.s32 @p2 $0x1  }
0x17: {  	s4 =	simm.s32 $0x1BF5;
	[smem:$0x3FB1] =	sst s0  }
0x18: {  	s0 =	sld [smem:$0x3F94];
	_ =	swait.ge [sflag:s4], $0x0  }
0x19: {  	s7 =	sld [smem:$0x3F95]  }
0x1a: {  	s8 =	sadd.s32 $0xFFFFE003, lr  }
0x1b: {  	s9 =	sadd.s32 $0xFFFFFEF7, lr;
	s5 =	simm.s32 $0xFFFFFFFF;
	p2 =	slt.u32 s8, $0xFFFFF086  }
0x1c: {  	p1 =	slt.u32 s9, $0xF7A;
	s5 =	simm.s32 @!p2 $0x0  }
0x1d: {  	s5 =	simm.s32 @p1 $0x1;
	p0 =	seq.s32 s7, s2  }
0x1e: {  	s7 =	smul.u32 @!p0 $0xF7A, s2;
	p2 =	seq.s32 @!p0 s5, $0x0  }
0x1f: {  	s9 =	smul.u32 $0xF7A, s1;
	s8 =	simm.s32 @!p0 $0x1BF5;
	p2 =	por !p2, p0  }
0x20: {  	[sflag:s8] =	ssyncset.s32 @!p0 $0xFFFFF086;
	s6 =	sadd.s32 @!p0 s3, s7;
	s7 =	simm.s32 @!p0 $0x108  }
0x21: {  	s3 =	sadd.s32 s3, s9;
	s6 =	sadd.s32 @!p0 $0x88, s6;
	s7 =	simm.s32 @p2 $0x1082  }
0x22: {  	[simem:s7], [sflag:s8] =	dma.local @!p0 [hbm:s6], $0xF7A  }
0x23: {  	s9 =	sor.u32 $0xD0000000, s2;
	s6 =	simm.s32 $0x108;
	_ =	swait.ge @!p0 [sflag:s8], $0x0  }
0x24: {  	s3 =	sadd.s32 $0x88, s3;
	s6 =	simm.s32 @!p1 $0x1082;
	[sflag:s4] =	ssyncset.s32 $0xFFFFF086  }
0x25: {  	[simem:s6], [sflag:s4] =	dma.local [hbm:s3], $0xF7A  }
0x26: {  	[smem:$0x3F95] =	sst s1;
	(tag) =	ssettag s2;
	_ =	strace s9  }
0x27: {  	s1 =	sld [smem:$0x3FA5]  }
0x28: {  	s2 =	sld [smem:$0x3FA6]  }
0x29: {  	s4 =	sld [smem:$0x3FA8]  }
0x2a: {  	p0 =	seq.s32 s5, $0x0;
	s5 =	sld [smem:$0x3FA9]  }
0x2b: {  	s6 =	sld [smem:$0x3FAA]  }
0x2c: {  	s7 =	sld [smem:$0x3FAB]  }
0x2d: {  	s3 =	simm.s32 $0x108;
	s8 =	sld [smem:$0x3FAC]  }
0x2e: {  	s3 =	simm.s32 @!p0 $0x1082;
	s9 =	sld [smem:$0x3FAD]  }
0x2f: {  	lr =	sadd.s32 s0, s3;
	s0 =	sld [smem:$0x3FA4]  }
0x30: {  	s3 =	sld [smem:$0x3FA7]  }
0x31: {  	[smem:$0x3FB0] =	sst s10  }
0x32: {  	s10 =	sld [smem:$0x3FAE];
	_ =	sdelay $0x3  }
0x33: {  	p0 =	seq.s32 s10, $0x1;
	s10 =	sld [smem:$0x3FB0];
	_ =	sdelay $0x3  }
0x34: {  	[smem:$0x3FB0] =	sst s10  }
0x35: {  	s10 =	sld [smem:$0x3FAF];
	_ =	sdelay $0x3  }
0x36: {  	p1 =	seq.s32 s10, $0x1;
	s10 =	sld [smem:$0x3FB0];
	_ =	sdelay $0x3  }
0x37: {  	[smem:$0x3FB0] =	sst s10  }
0x38: {  	s10 =	sld [smem:$0x3FB1]  }
0x39: {  	_ = 	snop;
	(pc) =	sbr.ind lr, $3  }
0x3a: {  	_ = 	snop  }
0x3b: {  	_ = 	snop  }
0x3c: {  	p2 =	seq.s32 s10, $0x1;
	s10 =	sld [smem:$0x3FB0]  }
0x3d: {  	_ =	shalt  }
0x3e: {  	_ =	shalt  }
0x3f: {  	_ =	shalt  }
0x40: {  	_ =	shalt  }
0x41: {  	_ =	shalt  }
0x42: {  	_ =	shalt  }
0x43: {  	_ =	shalt  }
0x44: {  	_ =	shalt  }
0x45: {  	_ =	shalt  }
0x46: {  	_ =	shalt  }
0x47: {  	_ =	shalt  }
0x48: {  	_ =	shalt  }
0x49: {  	_ =	shalt  }
0x4a: {  	_ =	shalt  }
0x4b: {  	_ =	shalt  }
0x4c: {  	_ =	shalt  }
0x4d: {  	_ =	shalt  }
0x4e: {  	_ =	shalt  }
0x4f: {  	_ =	shalt  }
0x50: {  	_ =	shalt  }
0x51: {  	_ =	shalt  }
0x52: {  	_ =	shalt  }
0x53: {  	_ =	shalt  }
0x54: {  	_ =	shalt  }
0x55: {  	_ =	shalt  }
0x56: {  	_ =	shalt  }
0x57: {  	_ =	shalt  }
0x58: {  	_ =	shalt  }
0x59: {  	_ =	shalt  }
0x5a: {  	_ =	shalt  }
0x5b: {  	_ =	shalt  }
0x5c: {  	_ =	shalt  }
0x5d: {  	_ =	shalt  }
0x5e: {  	_ =	shalt  }
0x5f: {  	_ =	shalt  }
0x60: {  	_ =	shalt  }
0x61: {  	_ =	shalt  }
0x62: {  	_ =	shalt  }
0x63: {  	_ =	shalt  }
0x64: {  	_ =	shalt  }
0x65: {  	_ =	shalt  }
0x66: {  	_ =	shalt  }
0x67: {  	_ =	shalt  }
0x68: {  	_ =	shalt  }
0x69: {  	_ =	shalt  }
0x6a: {  	_ =	shalt  }
0x6b: {  	_ =	shalt  }
0x6c: {  	_ =	shalt  }
0x6d: {  	_ =	shalt  }
0x6e: {  	_ =	shalt  }
0x6f: {  	_ =	shalt  }
0x70: {  	_ =	shalt  }
0x71: {  	_ =	shalt  }
0x72: {  	_ =	shalt  }
0x73: {  	_ =	shalt  }
0x74: {  	_ =	shalt  }
0x75: {  	_ =	shalt  }
0x76: {  	_ =	shalt  }
0x77: {  	_ =	shalt  }
0x78: {  	_ =	shalt  }
0x79: {  	_ =	shalt  }
0x7a: {  	_ =	shalt  }
0x7b: {  	_ =	shalt  }
0x7c: {  	_ =	shalt  }
0x7d: {  	_ =	shalt  }
0x7e: {  	_ =	shalt  }
0x7f: {  	_ =	shalt  }
0x80: {  	_ =	shalt  }
0x81: {  	_ =	shalt  }
0x82: {  	_ =	shalt  }
0x83: {  	_ =	shalt  }
0x84: {  	_ =	shalt  }
0x85: {  	_ =	shalt  }
0x86: {  	_ =	shalt  }
0x87: {  	_ =	shalt  }
.Lfunc_end0:
.L_simem_size_0:
called_computation_lowered:
.L_overlay_start_0:
0x88: {  	s2 =	sld [smem:$0x3FD9]  }
0x89: {  	s3 =	sld [smem:$0x3FFE];
	_ =	sdelay $0x1  }
0x8a: {  	s1 =	srdreg.scid  }
0x8b: {  	s0 =	sand.u32 $0x1, s1  }
0x8c: {  	s16 =	sshll.u32 s0, $0xA;
	s2 =	sadd.s32 s3, s2  }
0x8d: {  	s2 =	sadd.s32 s2, s16  }
0x8e: {  	[smem:$0x3FBC] =	sst s2  }
0x8f: {  	_ = 	snop  }
0x90: {  	(tm) =	ssettm $0x1  }
0x91: {  	s17 =	sld [smem:$0x3FFB];
	_ =	sdelay $0x3  }
0x92: {  	_ =	strace s17  }
0x93: {  	s2 =	sld [smem:$0x3FFC];
	_ =	sdelay $0x3  }
0x94: {  	_ =	strace s2  }
0x95: {  	s2 =	sld [smem:$0x3FFD];
	_ =	sdelay $0x3  }
0x96: {  	_ =	strace s2  }
0x97: {  	_ =	strace $0x8FFFFFFF  }
0x98: {  	s18 =	sld [smem:$0x3FDB];
	_ =	sdelay $0x1  }
0x99: {  	s19 =	simm.s32 $_scs_section_size  }
0x9a: {  	s4 =	simm.s32 $_size__tile_overlayer_lowered;
	s5 =	simm.s32 $_tile_overlayer_lowered  }
0x9b: {  	s22 =	simm.s32 $0x1BFF;
	s21 =	sshll.u32 s5, $0x1;
	s2 =	sadd.s32 s19, s18  }
0x9c: {  	s6 =	simm.s32 $0x0;
	s20 =	sshll.u32 s4, $0x1;
	s4 =	sadd.s32 s21, s2  }
0x9d: {  	[timem:s6], [sflag:s22] =	dma.local [hbm:s4], s20  }
0x9e: {  	_ =	swait.ge [sflag:s22], s20  }
0x9f: {  	s3 =	ssub.s32 $0x0, s20;
	[sflag:s22] =	ssyncset.done $0x0  }
0xa0: {  	[sflag:s22] =	ssyncadd.s32 s3;
	_ =	sdelay $0x1  }
0xa1: {  	s23 =	simm.s32 $0x1B8B  }
0xa2: {  	_ =	swait.ge [sflag:s23], $0x1  }
0xa3: {  	[sflag:s23] =	ssyncset.done $0x0  }
0xa4: {  	s25 =	simm.s32 $0x1B8E;
	s24 =	sld [smem:$0x3FFE];
	[sflag:s23] =	ssyncadd.s32 $0xFFFFFFFF  }
0xa5: {  	s26 =	simm.s32 $execute0_lowered;
	[smem:$0x3FD2] =	sst s25  }
0xa6: {  	s4 =	sshll.u32 s26, $0x1;
	_ =	strace $0x80000046;
	[dreg:$0x1] =	wrdreg $0xFFFFFFFF  }
0xa7: {  	s28 =	simm.s32 $_size_execute0_lowered;
	s2 =	sadd.s32 s2, s4;
	[dreg:$0x0] =	wrdreg $0x0  }
0xa8: {  	s4 =	sshll.u32 s28, $0x1;
	[dreg:$0x2] =	wrdreg s2  }
0xa9: {  	[dreg:$0x3] =	wrdreg s4  }
0xaa: {  	[dreg:$0x4] =	wrdreg $0xC0  }
0xab: {  	_ =	task [dreg:s6], $0x5FFFF  }
0xac: {  	[dreg:$0x1] =	wrdreg $0xFFFFFFFF  }
0xad: {  	[dreg:$0x0] =	wrdreg $0x60  }
0xae: {  	[dreg:$0x2] =	wrdreg s24  }
0xaf: {  	[dreg:$0x3] =	wrdreg $0xBF400  }
0xb0: {  	[dreg:$0x4] =	wrdreg $0x10E400  }
0xb1: {  	[dreg:$0x5] =	wrdreg $0x15D400  }
0xb2: {  	[dreg:$0x6] =	wrdreg $0x9  }
0xb3: {  	_ =	task.clear_ibuf [dreg:s6], $0x7FFFF;
	_ =	strace $0x90000046  }
0xb4: {  	s29 =	simm.s32 $0x9;
	_ =	strace $0x80000048  }
0xb5: {  	_ =	swait.ge [sflag:s29], $0x1  }
0xb6: {  	[sflag:s29] =	ssyncadd.s32 $0xFFFFFFFF  }
0xb7: {  	_ =	strace $0x90000048  }
0xb8: {  	_ =	sfence  }
0xb9: {  	s30 =	sld [smem:$0x0];
	_ =	sdelay $0x2  }
0xba: {  	s31 =	sshll.u32 s1, $0xD;
	s1 =	sshrl.u32 s1, $0x2  }
0xbb: {  	s3 =	sand.u32 $0x4000, s31;
	s1 =	sadd.s32 s1, s30  }
0xbc: {  	s0 =	sor.u32 s3, s0;
	s1 =	sshll.u32 s1, $0x11  }
0xbd: {  	s0 =	sor.u32 s1, s0  }
0xbe: {  	s0 =	sadd.s32 $0x8F2B, s0  }
0xbf: {  	[sflag:s0] =	ssyncadd.remote.s32 $0x1  }
0xc0: {  	_ =	sfence.sel $0xFFFF  }
0xc1: {  	[dreg:$0x0] =	wrdreg $0xFFFFFFFF;
	(pc) =	sbr.abs _section_cstart, $3  }
0xc2: {  	[dreg:$0x1] =	wrdreg $0xFFFFFFFF  }
0xc3: {  	_ =	task.clear_ibuf [dreg:s6], $0x2FFFF;
	_ =	strace $0x9FFFFFFF  }
0xc4: {  	(tm) =	ssettm $0x7FFFFFFF  }
0xc5: {  	_ =	shalt  }
tec
execute0_lowered:
.L_overlay_start_1:
0x0: {  	(tag) =	ssettag $0x1  }
0x1: {  	s0 =	rddreg [dreg:$0x0]  }
0x2: {  	s2 =	rddreg [dreg:$0x1]  }
0x3: {  	s3 =	rddreg [dreg:$0x2]  }
0x4: {  	s4 =	rddreg [dreg:$0x3]  }
0x5: {  	s10 =	stileid.u32;
	s1 =	srdreg.scid;
	s5 =	simm.s32 $0x0  }
0x6: {  	s16 =	simm.s32 $0x1;
	s17 =	simm.s32 $0x4;
	s18 =	simm.s32 $0x8  }
0x7: {  	s28 =	simm.s32 $0xA000;
	s29 =	simm.s32 $0xAFA0;
	s6 =	smul.u32 $0x9E00, s10  }
0x8: {  	s30 =	simm.s32 $0x6;
	s31 =	simm.s32 $0x4F80;
	s8 =	smul.u32 $0xA00, s10  }
0x9: {  	s1 =	sand.u32 $0x1, s1;
	[smem:$0x7FF] =	sst s5;
	s19 =	smul.u32 $0x4F00, s10  }
0xa: {  	s7 =	sshll.u32 s1, $0x5;
	_ =	strace $0x80000047;
	s1 =	ssub.s32 $0x2, s1  }
0xb: {  	s6 =	sor.u32 s7, s6;
	s8 =	sadd.s32 s8, s0;
	s21 =	sshrl.u32 s1, $0x1  }
0xc: {  	s9 =	sadd.s32 s19, s2;
	s20 =	sadd.s32 s19, s3;
	s7 =	sadd.s32 s19, s4  }
0xd: {  	s6 =	sshrl.u32 s6, $0x3;
	s1 =	ssub.s32 s1, s21;
	s26 =	sadd.s32 $0xB400, s8  }
0xe: {  	s8 =	sadd.s32 $0x1400, s8;
	s15 =	sshrl.u32 s9, $0x3;
	s20 =	sshrl.u32 s20, $0x3  }
0xf: {  	s0 =	sadd.s32 s6, s0;
	s6 =	sshll.u32 s10, $0x6;
	[dreg:$0x9] =	wrdreg s26  }
0x10: {  	[dreg:$0xa] =	wrdreg s8;
	s14 =	smax.u32 s1, $0x1;
	s26 =	simm.s32 $0x7D  }
0x11: {  	s1 =	simm.s32 $0x9F80;
	s22 =	sadd.s32 $0x15400, s0;
	s23 =	sor.u32 $0x1C01, s6  }
0x12: {  	s24 =	sadd.s32 $0x29000, s0;
	s25 =	sadd.s32 $0x3CC00, s0;
	[dreg:$0x5] =	wrdreg s22  }
0x13: {  	s13 =	sadd.s32 $0x50800, s0;
	s19 =	sor.u32 $0x1C02, s6;
	[dreg:$0x6] =	wrdreg s23  }
0x14: {  	s21 =	sor.u32 $0x1C05, s6;
	s0 =	simm.s32 $0x9F00;
	[dreg:$0x7] =	wrdreg s24  }
0x15: {  	[dreg:$0x8] =	wrdreg s25;
	s22 =	sshrl.u32 s7, $0x3;
	s24 =	simm.s32 $0x2  }
0x16: {  	s25 =	simm.s32 $0x3;
	s23 =	simm.s32 $0x5;
	s7 =	simm.s32 $0x0  }
.LBB2_1:
0x17: {  	s8 =	rddreg [dreg:$0x5]  }
0x18: {  	s9 =	rddreg [dreg:$0x6]  }
0x19: {  	[spmem:s15@s17], [sflag:s9] =	dma.strided [hbm:s8@s18], $0x9E0, s16, $0x4   }
0x1a: {  	s8 =	rddreg [dreg:$0x7]  }
0x1b: {  	[spmem:s20@s17], [sflag:s19] =	dma.strided [hbm:s8@s18], $0x9E0, s16, $0x4   }
0x1c: {  	s8 =	rddreg [dreg:$0x8]  }
0x1d: {  	[spmem:s22@s17], [sflag:s21] =	dma.strided [hbm:s8@s18], $0x9E0, s16, $0x4   }
0x1e: {  	s8 =	rddreg [dreg:$0x9]  }
0x1f: {  	[tilespmem:s5], [sflag:$0x3] =	stream.linear.gather [hbm4b:s8+s5], $0x5000, $0x38;
	[tilespmem:$0x1AC40] =	vst v63  }
0x20: {  	s12 =	simm.s32 $0x5000;
	s11 =	rddreg [dreg:$0xa]  }
0x21: {  	[tilespmem:s12], [sflag:$0x4] =	stream.linear.gather [hbm4b:s11+s5], $0x5000, $0x38;
	[tilespmem:$0x1AC40] =	vst v63  }
0x22: {  	_ =	swait.ge [sflag:s16], $0x9E0  }
0x23: {  	[sflag:s16] =	ssyncset.done $0x0  }
0x24: {  	[sflag:s16] =	ssyncadd.s32 $0xFFFFF620  }
0x25: {  	_ =	swait.ge [sflag:s24], $0x9E0  }
0x26: {  	[sflag:s24] =	ssyncset.done $0x0  }
0x27: {  	[sflag:s24] =	ssyncadd.s32 $0xFFFFF620  }
0x28: {  	_ =	swait.ge [sflag:s25], $0x5000  }
0x29: {  	[sflag:s25] =	ssyncset.done $0x0  }
0x2a: {  	[sflag:s25] =	ssyncadd.s32 $0xFFFFB000  }
0x2b: {  	_ =	swait.ge [sflag:s17], $0x5000  }
0x2c: {  	[sflag:s17] =	ssyncset.done $0x0  }
0x2d: {  	[sflag:s17] =	ssyncadd.s32 $0xFFFFB000  }
0x2e: {  	[bflag:$0x0] =	sbarrier.arrive $0xFFFF  }
0x2f: {  	[tilespmem:s28], [sflag:$0x1] =	stream.indirect.gather [spmem:s2], $0x20, s5, s26, $0xb8;
	[tilespmem:$0x1AC40] =	vst v63  }
0x30: {  	s9 =	simm.s32 $0x80  }
0x31: {  	[tilespmem:s29], [sflag:$0x2] =	stream.indirect.gather [spmem:s2], $0x20, s9, s26, $0xb8;
	[tilespmem:$0x1AC40] =	vst v63  }
0x32: {  	_ =	swait.ge [sflag:s16], $0xFA0  }
0x33: {  	[sflag:s16] =	ssyncset.done $0x0  }
0x34: {  	s10 =	simm.s32 $0x5000;
	[sflag:s16] =	ssyncadd.s32 $0xFFFFF060  }
0x35: {  	[spmem:s3] =	stream.indirect.scatter.add.f32 [tilespmem:s28], [sflag:$0x6], $0x20, s10, s26, $0xb8;
	[tilespmem:$0x1AC40] =	vst v63  }
0x36: {  	_ =	swait.ge [sflag:s30], $0xFA0  }
0x37: {  	[sflag:s30] =	ssyncset.done $0x0  }
0x38: {  	s11 =	simm.s32 $0x100;
	[sflag:s30] =	ssyncadd.s32 $0xFFFFF060  }
0x39: {  	[tilespmem:s28], [sflag:$0x1] =	stream.indirect.gather [spmem:s2], $0x20, s11, s26, $0xb8;
	[tilespmem:$0x1AC40] =	vst v63  }
0x3a: {  	_ =	swait.ge [sflag:s24], $0xFA0  }
0x3b: {  	[sflag:s24] =	ssyncset.done $0x0  }
0x3c: {  	s12 =	simm.s32 $0x5080;
	[sflag:s24] =	ssyncadd.s32 $0xFFFFF060  }
0x3d: {  	[spmem:s3] =	stream.indirect.scatter.add.f32 [tilespmem:s29], [sflag:$0x6], $0x20, s12, s26, $0xb8;
	[tilespmem:$0x1AC40] =	vst v63  }
0x3e: {  	_ =	swait.ge [sflag:s30], $0xFA0  }
0x3f: {  	s8 =	simm.s32 $0x100;
	s9 =	simm.s32 $0x800;
	[sflag:s30] =	ssyncset.done $0x0  }
.LBB2_2:
0x40: {  	s10 =	sadd.s32 $0x80, s8  }
0x41: {  	[sflag:s30] =	ssyncadd.s32 $0xFFFFF060;
	s11 =	smov.u32 s9;
	s12 =	sadd.s32 $0x400, s9  }
0x42: {  	[tilespmem:s29], [sflag:$0x2] =	stream.indirect.gather [spmem:s2], $0x20, s10, s26, $0xb8;
	[tilespmem:$0x1AC40] =	vst v63  }
0x43: {  	p0 =	sne.s32 s9, $0x13800;
	_ =	swait.ge [sflag:s16], $0xFA0  }
0x44: {  	[sflag:s16] =	ssyncset.done $0x0  }
0x45: {  	s9 =	sadd.s32 $0x5000, s8;
	[sflag:s16] =	ssyncadd.s32 $0xFFFFF060  }
0x46: {  	[spmem:s3] =	stream.indirect.scatter.add.f32 [tilespmem:s28], [sflag:$0x6], $0x20, s9, s26, $0xb8;
	[tilespmem:$0x1AC40] =	vst v63  }
0x47: {  	_ =	swait.ge [sflag:s30], $0xFA0  }
0x48: {  	[sflag:s30] =	ssyncset.done $0x0  }
0x49: {  	s9 =	sadd.s32 $0x100, s8;
	[sflag:s30] =	ssyncadd.s32 $0xFFFFF060  }
0x4a: {  	[tilespmem:s28], [sflag:$0x1] =	stream.indirect.gather [spmem:s2], $0x20, s9, s26, $0xb8;
	[tilespmem:$0x1AC40] =	vst v63  }
0x4b: {  	_ =	swait.ge [sflag:s24], $0xFA0  }
.Ltmp0:
0x4c: {  	[sflag:s24] =	ssyncset.done $0x0;
	(pc) =	sbr.rel @p0 .LBB2_2-.Ltmp0, $4  }
0x4d: {  	s8 =	sadd.s32 $0x5080, s8;
	[sflag:s24] =	ssyncadd.s32 $0xFFFFF060  }
0x4e: {  	[spmem:s3] =	stream.indirect.scatter.add.f32 [tilespmem:s29], [sflag:$0x6], $0x20, s8, s26, $0xb8;
	[tilespmem:$0x1AC40] =	vst v63  }
0x4f: {  	_ =	swait.ge [sflag:s30], $0xFA0  }
0x50: {  	s9 =	smov.u32 s12;
	s8 =	sshra.s32 s11, $0x2;
	[sflag:s30] =	ssyncset.done $0x0  }
0x51: {  	s9 =	sadd.s32 $0x80, s8;
	[sflag:s30] =	ssyncadd.s32 $0xFFFFF060  }
0x52: {  	[tilespmem:s29], [sflag:$0x2] =	stream.indirect.gather [spmem:s2], $0x20, s9, s26, $0xb8;
	[tilespmem:$0x1AC40] =	vst v63  }
0x53: {  	_ =	swait.ge [sflag:s16], $0xFA0  }
0x54: {  	[sflag:s16] =	ssyncset.done $0x0  }
0x55: {  	s12 =	sadd.s32 $0x5000, s8;
	[sflag:s16] =	ssyncadd.s32 $0xFFFFF060  }
0x56: {  	[spmem:s3] =	stream.indirect.scatter.add.f32 [tilespmem:s28], [sflag:$0x6], $0x20, s12, s26, $0xb8;
	[tilespmem:$0x1AC40] =	vst v63  }
0x57: {  	_ =	swait.ge [sflag:s30], $0xFA0  }
0x58: {  	[sflag:s30] =	ssyncset.done $0x0  }
0x59: {  	s10 =	sadd.s32 $0x100, s8;
	[sflag:s30] =	ssyncadd.s32 $0xFFFFF060  }
0x5a: {  	[tilespmem:s28], [sflag:$0x1] =	stream.indirect.gather [spmem:s2], $0x20, s10, s26, $0xb8;
	[tilespmem:$0x1AC40] =	vst v63  }
0x5b: {  	_ =	swait.ge [sflag:s24], $0xFA0  }
0x5c: {  	[sflag:s24] =	ssyncset.done $0x0  }
0x5d: {  	s11 =	sadd.s32 $0x5080, s8;
	[sflag:s24] =	ssyncadd.s32 $0xFFFFF060  }
0x5e: {  	[spmem:s3] =	stream.indirect.scatter.add.f32 [tilespmem:s29], [sflag:$0x6], $0x20, s11, s26, $0xb8;
	[tilespmem:$0x1AC40] =	vst v63  }
0x5f: {  	_ =	swait.ge [sflag:s30], $0xFA0  }
0x60: {  	[sflag:s30] =	ssyncset.done $0x0  }
0x61: {  	[sflag:s30] =	ssyncadd.s32 $0xFFFFF060  }
0x62: {  	[tilespmem:s29], [sflag:$0x2] =	stream.indirect.gather [spmem:s2], $0x20, s31, s26, $0xb8;
	[tilespmem:$0x1AC40] =	vst v63  }
0x63: {  	_ =	swait.ge [sflag:s16], $0xFA0  }
0x64: {  	[sflag:s16] =	ssyncset.done $0x0  }
0x65: {  	[sflag:s16] =	ssyncadd.s32 $0xFFFFF060  }
0x66: {  	[spmem:s3] =	stream.indirect.scatter.add.f32 [tilespmem:s28], [sflag:$0x6], $0x20, s0, s26, $0xb8;
	[tilespmem:$0x1AC40] =	vst v63  }
0x67: {  	_ =	swait.ge [sflag:s30], $0xFA0  }
0x68: {  	[sflag:s30] =	ssyncset.done $0x0  }
0x69: {  	[sflag:s30] =	ssyncadd.s32 $0xFFFFF060  }
0x6a: {  	_ =	swait.ge [sflag:s24], $0xFA0  }
0x6b: {  	[sflag:s24] =	ssyncset.done $0x0  }
0x6c: {  	[sflag:s24] =	ssyncadd.s32 $0xFFFFF060  }
0x6d: {  	[spmem:s3] =	stream.indirect.scatter.add.f32 [tilespmem:s29], [sflag:$0x6], $0x20, s1, s26, $0xb8;
	[tilespmem:$0x1AC40] =	vst v63  }
0x6e: {  	_ =	swait.ge [sflag:s30], $0xFA0  }
0x6f: {  	[sflag:s30] =	ssyncset.done $0x0  }
0x70: {  	[sflag:s30] =	ssyncadd.s32 $0xFFFFF060  }
0x71: {  	_ =	swait.ge [sflag:s23], $0x9E0  }
0x72: {  	[sflag:s23] =	ssyncset.done $0x0  }
0x73: {  	[sflag:s23] =	ssyncadd.s32 $0xFFFFF620  }
0x74: {  	s12 =	simm.s32 $0x0;
	[bflag:$0x0] =	sbarrier.arrive $0xFFFF  }
0x75: {  	[tilespmem:s28], [sflag:$0x1] =	stream.indirect.gather [spmem:s3], $0x20, s12, s26, $0xb8;
	[tilespmem:$0x1AC40] =	vst v63  }
0x76: {  	s9 =	simm.s32 $0x80  }
0x77: {  	[tilespmem:s29], [sflag:$0x2] =	stream.indirect.gather [spmem:s3], $0x20, s9, s26, $0xb8;
	[tilespmem:$0x1AC40] =	vst v63  }
0x78: {  	_ =	swait.ge [sflag:s16], $0xFA0  }
0x79: {  	[sflag:s16] =	ssyncset.done $0x0  }
0x7a: {  	s10 =	simm.s32 $0x5000;
	[sflag:s16] =	ssyncadd.s32 $0xFFFFF060  }
0x7b: {  	[spmem:s4] =	stream.indirect.scatter.add.f32 [tilespmem:s28], [sflag:$0x6], $0x20, s10, s26, $0xb8;
	[tilespmem:$0x1AC40] =	vst v63  }
0x7c: {  	_ =	swait.ge [sflag:s30], $0xFA0  }
0x7d: {  	[sflag:s30] =	ssyncset.done $0x0  }
0x7e: {  	s11 =	simm.s32 $0x100;
	[sflag:s30] =	ssyncadd.s32 $0xFFFFF060  }
0x7f: {  	[tilespmem:s28], [sflag:$0x1] =	stream.indirect.gather [spmem:s3], $0x20, s11, s26, $0xb8;
	[tilespmem:$0x1AC40] =	vst v63  }
0x80: {  	_ =	swait.ge [sflag:s24], $0xFA0  }
0x81: {  	[sflag:s24] =	ssyncset.done $0x0  }
0x82: {  	s12 =	simm.s32 $0x5080;
	[sflag:s24] =	ssyncadd.s32 $0xFFFFF060  }
0x83: {  	[spmem:s4] =	stream.indirect.scatter.add.f32 [tilespmem:s29], [sflag:$0x6], $0x20, s12, s26, $0xb8;
	[tilespmem:$0x1AC40] =	vst v63  }
0x84: {  	_ =	swait.ge [sflag:s30], $0xFA0  }
0x85: {  	s8 =	simm.s32 $0x100;
	s9 =	simm.s32 $0x800;
	[sflag:s30] =	ssyncset.done $0x0  }
.LBB2_4:
0x86: {  	s10 =	sadd.s32 $0x80, s8  }
0x87: {  	[sflag:s30] =	ssyncadd.s32 $0xFFFFF060;
	s11 =	smov.u32 s9;
	s12 =	sadd.s32 $0x400, s9  }
0x88: {  	[tilespmem:s29], [sflag:$0x2] =	stream.indirect.gather [spmem:s3], $0x20, s10, s26, $0xb8;
	[tilespmem:$0x1AC40] =	vst v63  }
0x89: {  	p0 =	sne.s32 s9, $0x13800;
	_ =	swait.ge [sflag:s16], $0xFA0  }
0x8a: {  	[sflag:s16] =	ssyncset.done $0x0  }
0x8b: {  	s9 =	sadd.s32 $0x5000, s8;
	[sflag:s16] =	ssyncadd.s32 $0xFFFFF060  }
0x8c: {  	[spmem:s4] =	stream.indirect.scatter.add.f32 [tilespmem:s28], [sflag:$0x6], $0x20, s9, s26, $0xb8;
	[tilespmem:$0x1AC40] =	vst v63  }
0x8d: {  	_ =	swait.ge [sflag:s30], $0xFA0  }
0x8e: {  	[sflag:s30] =	ssyncset.done $0x0  }
0x8f: {  	s9 =	sadd.s32 $0x100, s8;
	[sflag:s30] =	ssyncadd.s32 $0xFFFFF060  }
0x90: {  	[tilespmem:s28], [sflag:$0x1] =	stream.indirect.gather [spmem:s3], $0x20, s9, s26, $0xb8;
	[tilespmem:$0x1AC40] =	vst v63  }
0x91: {  	_ =	swait.ge [sflag:s24], $0xFA0  }
.Ltmp1:
0x92: {  	[sflag:s24] =	ssyncset.done $0x0;
	(pc) =	sbr.rel @p0 .LBB2_4-.Ltmp1, $4  }
0x93: {  	s8 =	sadd.s32 $0x5080, s8;
	[sflag:s24] =	ssyncadd.s32 $0xFFFFF060  }
0x94: {  	[spmem:s4] =	stream.indirect.scatter.add.f32 [tilespmem:s29], [sflag:$0x6], $0x20, s8, s26, $0xb8;
	[tilespmem:$0x1AC40] =	vst v63  }
0x95: {  	_ =	swait.ge [sflag:s30], $0xFA0  }
0x96: {  	s9 =	smov.u32 s12;
	s8 =	sshra.s32 s11, $0x2;
	[sflag:s30] =	ssyncset.done $0x0  }
0x97: {  	s9 =	sadd.s32 $0x80, s8;
	[sflag:s30] =	ssyncadd.s32 $0xFFFFF060  }
0x98: {  	[tilespmem:s29], [sflag:$0x2] =	stream.indirect.gather [spmem:s3], $0x20, s9, s26, $0xb8;
	[tilespmem:$0x1AC40] =	vst v63  }
0x99: {  	_ =	swait.ge [sflag:s16], $0xFA0  }
0x9a: {  	[sflag:s16] =	ssyncset.done $0x0  }
0x9b: {  	s12 =	sadd.s32 $0x5000, s8;
	[sflag:s16] =	ssyncadd.s32 $0xFFFFF060  }
0x9c: {  	[spmem:s4] =	stream.indirect.scatter.add.f32 [tilespmem:s28], [sflag:$0x6], $0x20, s12, s26, $0xb8;
	[tilespmem:$0x1AC40] =	vst v63  }
0x9d: {  	_ =	swait.ge [sflag:s30], $0xFA0  }
0x9e: {  	[sflag:s30] =	ssyncset.done $0x0  }
0x9f: {  	s10 =	sadd.s32 $0x100, s8;
	[sflag:s30] =	ssyncadd.s32 $0xFFFFF060  }
0xa0: {  	[tilespmem:s28], [sflag:$0x1] =	stream.indirect.gather [spmem:s3], $0x20, s10, s26, $0xb8;
	[tilespmem:$0x1AC40] =	vst v63  }
0xa1: {  	_ =	swait.ge [sflag:s24], $0xFA0  }
0xa2: {  	[sflag:s24] =	ssyncset.done $0x0  }
0xa3: {  	s11 =	sadd.s32 $0x5080, s8;
	[sflag:s24] =	ssyncadd.s32 $0xFFFFF060  }
0xa4: {  	[spmem:s4] =	stream.indirect.scatter.add.f32 [tilespmem:s29], [sflag:$0x6], $0x20, s11, s26, $0xb8;
	[tilespmem:$0x1AC40] =	vst v63  }
0xa5: {  	_ =	swait.ge [sflag:s30], $0xFA0  }
0xa6: {  	[sflag:s30] =	ssyncset.done $0x0  }
0xa7: {  	[sflag:s30] =	ssyncadd.s32 $0xFFFFF060  }
0xa8: {  	[tilespmem:s29], [sflag:$0x2] =	stream.indirect.gather [spmem:s3], $0x20, s31, s26, $0xb8;
	[tilespmem:$0x1AC40] =	vst v63  }
0xa9: {  	_ =	swait.ge [sflag:s16], $0xFA0  }
0xaa: {  	[sflag:s16] =	ssyncset.done $0x0  }
0xab: {  	[sflag:s16] =	ssyncadd.s32 $0xFFFFF060  }
0xac: {  	[spmem:s4] =	stream.indirect.scatter.add.f32 [tilespmem:s28], [sflag:$0x6], $0x20, s0, s26, $0xb8;
	[tilespmem:$0x1AC40] =	vst v63  }
0xad: {  	_ =	swait.ge [sflag:s30], $0xFA0  }
0xae: {  	[sflag:s30] =	ssyncset.done $0x0  }
0xaf: {  	[sflag:s30] =	ssyncadd.s32 $0xFFFFF060  }
0xb0: {  	_ =	swait.ge [sflag:s24], $0xFA0  }
0xb1: {  	[sflag:s24] =	ssyncset.done $0x0  }
0xb2: {  	[sflag:s24] =	ssyncadd.s32 $0xFFFFF060  }
0xb3: {  	[spmem:s4] =	stream.indirect.scatter.add.f32 [tilespmem:s29], [sflag:$0x6], $0x20, s1, s26, $0xb8;
	[tilespmem:$0x1AC40] =	vst v63  }
0xb4: {  	_ =	swait.ge [sflag:s30], $0xFA0  }
0xb5: {  	s7 =	sadd.s32 $0x1, s7;
	[sflag:s30] =	ssyncset.done $0x0  }
0xb6: {  	p0 =	sne.s32 s7, s14;
	[sflag:s30] =	ssyncadd.s32 $0xFFFFF060  }
.Ltmp2:
0xb7: {  	s12 =	sor.u32 $0x1C06, s6;
	[bflag:$0x0] =	sbarrier.arrive $0xFFFF;
	(pc) =	sbr.rel @p0 .LBB2_1-.Ltmp2, $4  }
0xb8: {  	[hbm:s13@s18], [sflag:s12] =	dma.strided [spmem:s22@s17], $0x9E0, s16, $0x4   }
0xb9: {  	_ =	swait.ge [sflag:s30], $0x9E0  }
0xba: {  	[sflag:s30] =	ssyncset.done $0x0  }
0xbb: {  	[sflag:s30] =	ssyncadd.s32 $0xFFFFF620  }
0xbc: {  	_ =	sfence.sel $0x180000  }
0xbd: {  	[bflag:$0x0] =	sbarrier.arrive $0xFFFF  }
0xbe: {  	_ =	strace $0x90000047  }
0xbf: {  	s0 =	stileid.u32;
	[bflag:$0x2] =	sbarrier.arrive $0xFFFF  }
0xc0: {  	p0 =	sne.s32 s0, $0x0;
	s0 =	rddreg [dreg:$0x4]  }
0xc1: {  	s0 =	sadd.s32 @!p0 $0x100000, s0  }
0xc2: {  	[sflag:s0] =	ssyncadd.tile.s32 @!p0 $0x1;
	_ =	shalt  }
.Lfunc_end2:
_tile_overlayer_lowered:
.L_overlay_start_2:
0xc3: {  	(tag) =	ssettag $0x2  }
0xc4: {  	s0 =	rddreg [dreg:$0x0];
	s2 =	stileid.u32  }
0xc5: {  	s1 =	rddreg [dreg:$0x1];
	p0 =	sne.s32 s2, $0x0  }
0xc6: {  	s3 =	rddreg [dreg:$0x2];
	[bflag:$0x3] =	sbarrier.arrive $0xFFFF;
	s2 =	simm.s32 @!p0 $0x1C06  }
0xc7: {  	[timem:s3], [sflag:s2] =	dma.local @!p0 [hbm:s0], s1  }
0xc8: {  	s0 =	simm.s32 @!p0 $0x6  }
0xc9: {  	_ =	swait.ge @!p0 [sflag:s0], s1  }
0xca: {  	s1 =	ssub.s32 @!p0 $0x0, s1;
	[sflag:s0] =	ssyncset.done @!p0 $0x0  }
0xcb: {  	[sflag:s0] =	ssyncadd.s32 @!p0 s1  }
0xcc: {  	[bflag:$0x3] =	sbarrier.arrive $0xFFFF  }
0xcd: {  	_ =	shalt  }

</sc_bundles>
